<compile_context>
chip_gen: v7x
topology: tpu7x:2x2x1
jax: 0.10.2.dev20260603
libtpu: 0.0.44.dev20260713+nightly
codegen_flags: <defaults>
</compile_context>

<pallas_src>
import functools

import jax
import jax.numpy as jnp
from jax import lax
from jax.experimental import pallas as pl
from jax.experimental.pallas import tpu as pltpu
from jax.experimental.pallas import tpu_sc as plsc

K = 8192
D = 256
B = 8
L = 1024
T = B * L
KB = 1024
NKB = K // KB

def _dist_body(x_ref, w_ref, idx_ref, minv_ref, bestv, besti):
    kb = pl.program_id(1)
    X = x_ref[0]
    Wb = w_ref[...]
    mm = lax.dot_general(Wb, X, (((1,), (0,)), ((), ())),
                         preferred_element_type=jnp.float32)
    xsq = jnp.sum(X * X, axis=0, keepdims=True)
    wsq = jnp.sum(Wb * Wb, axis=1, keepdims=True)
    d = (xsq + wsq) - 2.0 * mm
    bm = jnp.min(d, axis=0, keepdims=True)
    iota = lax.broadcasted_iota(jnp.int32, d.shape, 0) + kb * KB
    bi = jnp.min(jnp.where(d == bm, iota, K), axis=0, keepdims=True)

    @pl.when(kb == 0)
    def _():
        bestv[...] = bm
        besti[...] = bi

    @pl.when(kb > 0)
    def _():
        upd = bm < bestv[...]
        bestv[...] = jnp.where(upd, bm, bestv[...])
        besti[...] = jnp.where(upd, bi, besti[...])

    @pl.when(kb == NKB - 1)
    def _():
        idx_ref[0] = besti[...]
        minv_ref[0] = bestv[...]


_dist_call = pl.pallas_call(
    _dist_body,
    grid=(B, NKB),
    in_specs=[pl.BlockSpec((1, D, L), lambda b, kb: (b, 0, 0)),
              pl.BlockSpec((KB, D), lambda b, kb: (kb, 0))],
    out_specs=[pl.BlockSpec((1, 1, L), lambda b, kb: (b, 0, 0)),
               pl.BlockSpec((1, 1, L), lambda b, kb: (b, 0, 0))],
    out_shape=[jax.ShapeDtypeStruct((B, 1, L), jnp.int32),
               jax.ShapeDtypeStruct((B, 1, L), jnp.float32)],
    scratch_shapes=[pltpu.VMEM((1, L), jnp.float32),
                    pltpu.VMEM((1, L), jnp.int32)],
    compiler_params=pltpu.CompilerParams(
        dimension_semantics=("arbitrary", "arbitrary")),
)

_NC, _NS = 2, 16
_NW = _NC * _NS
_TPW = T // _NW
_BPW = K // _NS

@functools.cache
def _make_sc_gather_hist():
    mesh = plsc.VectorSubcoreMesh(core_axis_name="c", subcore_axis_name="s")
    return functools.partial(
        pl.kernel,
        out_type=(jax.ShapeDtypeStruct((T, D), jnp.float32),
                  jax.ShapeDtypeStruct((_NC, K), jnp.float32)),
        mesh=mesh,
        scratch_types=[
            pltpu.VMEM((_TPW,), jnp.int32),
            pltpu.VMEM((_TPW, D), jnp.float32),
            pltpu.VMEM((K,), jnp.float32),
            pltpu.VMEM((_BPW,), jnp.float32),
            pltpu.VMEM((_BPW,), jnp.float32),
            pltpu.VMEM_SHARED((_NS, K), jnp.float32),
            pltpu.SemaphoreType.DMA,
        ],
        compiler_params=pltpu.CompilerParams(needs_layout_passes=False),
    )(_sc_gather_hist_body)


def _sc_gather_hist_body(w_hbm, idx_hbm, outg_hbm, counts_hbm,
                         idx_v, rows_v, cnt_v, acc_v, tmp_v, shared, sem):
    c = lax.axis_index("c")
    s = lax.axis_index("s")
    wid = s * _NC + c
    base = wid * _TPW
    pltpu.sync_copy(idx_hbm.at[pl.ds(base, _TPW)], idx_v)
    gather = pltpu.async_copy(w_hbm.at[idx_v], rows_v, sem)

    def _zero(i, _):
        cnt_v[pl.ds(i * 16, 16)] = jnp.zeros((16,), jnp.float32)
        return 0
    lax.fori_loop(0, K // 16, _zero, 0)
    ones = jnp.ones((16,), jnp.float32)

    def _scat(i, _):
        iv = idx_v[pl.ds(i * 16, 16)]
        plsc.addupdate_scatter(cnt_v, [iv], ones)
        return 0
    lax.fori_loop(0, _TPW // 16, _scat, 0)

    pltpu.sync_copy(cnt_v, shared.at[s])
    plsc.subcore_barrier()
    bbase = s * _BPW

    def _zero2(i, _):
        acc_v[pl.ds(i * 16, 16)] = jnp.zeros((16,), jnp.float32)
        return 0
    lax.fori_loop(0, _BPW // 16, _zero2, 0)

    def _red(w, _):
        pltpu.sync_copy(shared.at[w, pl.ds(bbase, _BPW)], tmp_v)
        for j in range(_BPW // 16):
            sl = pl.ds(j * 16, 16)
            acc_v[sl] = acc_v[sl] + tmp_v[sl]
        return 0
    lax.fori_loop(0, _NS, _red, 0)
    pltpu.sync_copy(acc_v, counts_hbm.at[c, pl.ds(bbase, _BPW)])

    gather.wait()
    pltpu.sync_copy(rows_v, outg_hbm.at[pl.ds(base, _TPW)])


def _finish_body(cnt_ref, minv_ref, loss_ref, pplx_ref, dcr_ref):
    c2 = cnt_ref[...]
    c = c2[0] + c2[1]
    p = c * (1.0 / T)
    ent = jnp.sum(p * jnp.log(p + 1e-10))
    pplx = jnp.exp(-ent)
    active = jnp.sum(jnp.where(c > 0, 1.0, 0.0))
    dcr = 1.0 - active * (1.0 / K)
    ssum = jnp.sum(minv_ref[...])
    loss = 1.25 * (ssum * (1.0 / (T * D)))
    loss_ref[...] = jnp.reshape(loss, (1, 1))
    pplx_ref[...] = jnp.reshape(pplx, (1, 1))
    dcr_ref[...] = jnp.reshape(dcr, (1, 1))


_finish_call = pl.pallas_call(
    _finish_body,
    out_shape=[jax.ShapeDtypeStruct((1, 1), jnp.float32)] * 3,
)


def kernel(inputs, W):
    idx8, minv8 = _dist_call(inputs, W)
    idx_flat = idx8.reshape(T)
    outg, counts2 = _make_sc_gather_hist()(W, idx_flat)
    loss, pplx, dcr = _finish_call(counts2.reshape(_NC, 64, 128), minv8)
    quant = outg.reshape(B, L, D).transpose(0, 2, 1)
    return (loss.reshape(()), quant, pplx.reshape(()), dcr.reshape(()))

# --- scband reference (transcript-rebuilt; emitter-appended) ---
"""Pipeline reference for scband-vector-quantizer-5145370821476 (READ-ONLY COPY).

The authoritative reference and input builder live on the scoring server;
editing this copy changes nothing except your own understanding.
"""

import jax, jax.numpy as jnp
import numpy as np

NUM_EMBEDDINGS = 8192
EMBEDDING_DIM = 256
COMMITMENT_COST = 0.25


def setup_inputs(seed: int = 0) -> dict:
    key = jax.random.key(seed)
    k1, k2 = jax.random.split(key)
    inputs = jax.random.normal(k1, (8, 256, 1024), dtype=jnp.float32)
    W = jax.random.uniform(k2, (NUM_EMBEDDINGS, EMBEDDING_DIM), dtype=jnp.float32,
                           minval=-1.0 / NUM_EMBEDDINGS, maxval=1.0 / NUM_EMBEDDINGS)
    return {"inputs": inputs, "W": W}


def reference(inputs, W):
    # inputs: [B, C=embedding_dim, L]; permute to [B, L, C]
    x = jnp.transpose(inputs, (0, 2, 1))
    input_shape = x.shape
    flat = x.reshape(-1, EMBEDDING_DIM)
    distances = (jnp.sum(flat ** 2, axis=1, keepdims=True)
                 + jnp.sum(W ** 2, axis=1)
                 - 2.0 * jnp.matmul(flat, W.T))
    encoding_indices = jnp.argmin(distances, axis=1)
    encodings = jax.nn.one_hot(encoding_indices, NUM_EMBEDDINGS, dtype=jnp.float32)
    quantized = jnp.matmul(encodings, W).reshape(input_shape)
    e_latent_loss = jnp.mean((jax.lax.stop_gradient(quantized) - x) ** 2)
    q_latent_loss = jnp.mean((quantized - jax.lax.stop_gradient(x)) ** 2)
    loss = q_latent_loss + COMMITMENT_COST * e_latent_loss
    quantized_st = x + jax.lax.stop_gradient(quantized - x)
    avg_probs = jnp.mean(encodings, axis=0)
    perplexity = jnp.exp(-jnp.sum(avg_probs * jnp.log(avg_probs + 1e-10)))
    active_codes = jnp.sum((jnp.sum(encodings, axis=0) > 0).astype(jnp.float32))
    dcr = 1.0 - active_codes / NUM_EMBEDDINGS
    quantized_out = jnp.transpose(quantized_st, (0, 2, 1))
    return (loss, quantized_out, perplexity, dcr)

if __name__ == "__main__":
    import jax
    _d = setup_inputs()
    print(jax.jit(kernel)(*tuple(_d.values())))

</pallas_src>

<mosaic_0001>
#map = affine_map<(d0, d1) -> (0, 0)>
#map1 = affine_map<(d0, d1) -> (0)>
module attributes {stable_mosaic.version = 14 : i64} {
  func.func @_sc_gather_hist_body(%arg0: i32, %arg1: i32, %arg2: memref<8192x256xf32, #tpu.memory_space<hbm>>, %arg3: memref<8192xi32, #tpu.memory_space<hbm>>, %arg4: memref<8192x256xf32, #tpu.memory_space<hbm>>, %arg5: memref<2x8192xf32, #tpu.memory_space<hbm>>, %arg6: memref<256xi32, #tpu.memory_space<vmem>>, %arg7: memref<256x256xf32, #tpu.memory_space<vmem>>, %arg8: memref<8192xf32, #tpu.memory_space<vmem>>, %arg9: memref<512xf32, #tpu.memory_space<vmem>>, %arg10: memref<512xf32, #tpu.memory_space<vmem>>, %arg11: memref<16x8192xf32, #tpu.memory_space<vmem_shared>>, %arg12: memref<!tpu.dma_semaphore, #tpu.memory_space<semaphore_mem>>) attributes {dimension_semantics = [#tpu.dimension_semantics<core_parallel>, #tpu.dimension_semantics<subcore_parallel>], iteration_bounds = array<i64: 2, 16>, scalar_prefetch = 0 : i64, scratch_operands = 7 : i64, tpu.core_type = #tpu.core_type<sc_vector_subcore>, window_params = [{transform_indices = #map}, {transform_indices = #map1}, {transform_indices = #map}, {transform_indices = #map}]} {
    %mul3A = arith.constant 2 : i32
    %mul3A_0 = arith.muli %arg1, %mul3A : i32
    %add3A = arith.addi %mul3A_0, %arg0 : i32
    %mul3A_1 = arith.constant 256 : i32
    %mul3A_2 = arith.muli %add3A, %mul3A_1 : i32
    "tpu.region"() ({
      %run_scoped3A = tpu.sem_alloc : memref<!tpu.dma_semaphore, #tpu.memory_space<semaphore_mem>>
      %dma_start3A_37 = tpu.memref_slice %arg3[%mul3A_2] : memref<8192xi32, #tpu.memory_space<hbm>> -> memref<256xi32, #tpu.memory_space<hbm>>
      %dma_start3A_38 = tpu.memref_slice %arg3[%mul3A_2] : memref<8192xi32, #tpu.memory_space<hbm>> -> memref<256xi32, #tpu.memory_space<hbm>>
      tpu.enqueue_dma source(%dma_start3A_38 : memref<256xi32, #tpu.memory_space<hbm>>) target(%arg6 : memref<256xi32, #tpu.memory_space<vmem>>) target_semaphore(%run_scoped3A : memref<!tpu.dma_semaphore, #tpu.memory_space<semaphore_mem>>)
      %dma_wait3A_39 = tpu.memref_slice %arg3[%mul3A_2] : memref<8192xi32, #tpu.memory_space<hbm>> -> memref<256xi32, #tpu.memory_space<hbm>>
      %dma_wait3A_40 = tpu.memref_slice %arg3[%mul3A_2] : memref<8192xi32, #tpu.memory_space<hbm>> -> memref<256xi32, #tpu.memory_space<hbm>>
      tpu.wait_dma2 semaphore(%run_scoped3A : memref<!tpu.dma_semaphore, #tpu.memory_space<semaphore_mem>>) src(%dma_wait3A_40 : memref<256xi32, #tpu.memory_space<hbm>>) dst(%arg6 : memref<256xi32, #tpu.memory_space<vmem>>)
      tpu.yield
    }) : () -> ()
    %dma_start3A = arith.constant 0 : i32
    %dma_start3A_3 = arith.constant 0 : i32
    %dma_start3A_4 = tpu.memref_slice %arg2[%dma_start3A, %dma_start3A_3] : memref<8192x256xf32, #tpu.memory_space<hbm>> -> memref<8192x256xf32, #tpu.memory_space<hbm>>
    tpu.enqueue_indirect_dma source(%dma_start3A_4 : memref<8192x256xf32, #tpu.memory_space<hbm>>) target(%arg7 : memref<256x256xf32, #tpu.memory_space<vmem>>) offsets(%arg6 : memref<256xi32, #tpu.memory_space<vmem>>) semaphore(%arg12 : memref<!tpu.dma_semaphore, #tpu.memory_space<semaphore_mem>>)
    %scan3A = arith.constant 0 : i32
    %scan3A_5 = arith.constant 0 : i32
    %scan3A_6 = arith.constant 512 : i32
    %scan3A_7 = arith.addi %scan3A_5, %scan3A_6 : i32
    %scan3A_8 = arith.constant 1 : i32
    %scan3A_9 = scf.for %scan3A_37 = %scan3A_5 to %scan3A_7 step %scan3A_8 iter_args(%scan3A_38 = %scan3A) -> (i32)  : i32 {
      %broadcast_in_dim3A_39 = arith.constant 0.000000e+00 : f32
      %broadcast_in_dim3A_40 = vector.broadcast %broadcast_in_dim3A_39 : f32 to vector<16xf32>
      %mul3A_41 = arith.constant 16 : i32
      %mul3A_42 = arith.muli %scan3A_37, %mul3A_41 : i32
      %swap3A = arith.index_cast %mul3A_42 : i32 to index
      %swap3A_43 = tpu.vector_load %arg8[%swap3A] {strides = array<i32>} : memref<8192xf32, #tpu.memory_space<vmem>>, vector<16xf32>,
      tpu.vector_store %arg8[%swap3A], %broadcast_in_dim3A_40 {strides = array<i32>} : memref<8192xf32, #tpu.memory_space<vmem>>, vector<16xf32>,
      %scan3A_44 = arith.constant 0 : i32
      scf.yield %scan3A_44 : i32
    }
    %scan3A_10 = arith.constant 512 : i32
    %broadcast_in_dim3A = arith.constant 1.000000e+00 : f32
    %broadcast_in_dim3A_11 = vector.broadcast %broadcast_in_dim3A : f32 to vector<16xf32>
    %scan3A_12 = arith.constant 0 : i32
    %scan3A_13 = arith.constant 0 : i32
    %scan3A_14 = arith.constant 16 : i32
    %scan3A_15 = arith.addi %scan3A_13, %scan3A_14 : i32
    %scan3A_16 = arith.constant 1 : i32
    %scan3A_17 = scf.for %scan3A_37 = %scan3A_13 to %scan3A_15 step %scan3A_16 iter_args(%scan3A_38 = %scan3A_12) -> (i32)  : i32 {
      %mul3A_39 = arith.constant 16 : i32
      %mul3A_40 = arith.muli %scan3A_37, %mul3A_39 : i32
      %get3A = arith.index_cast %mul3A_40 : i32 to index
      %get3A_41 = tpu.vector_load %arg6[%get3A] {strides = array<i32>} : memref<256xi32, #tpu.memory_space<vmem>>, vector<16xi32>,
      tpu.vector_store_idx %arg8[%get3A_41], %broadcast_in_dim3A_11 {add = true} : memref<8192xf32, #tpu.memory_space<vmem>>[vector<16xi32>], vector<16xf32>,
      %scan3A_42 = arith.constant 0 : i32
      scf.yield %scan3A_42 : i32
    }
    %scan3A_18 = arith.constant 16 : i32
    "tpu.region"() ({
      %run_scoped3A = tpu.sem_alloc : memref<!tpu.dma_semaphore, #tpu.memory_space<semaphore_mem>>
      %dma_start3A_37 = arith.constant 0 : i32
      %dma_start3A_38 = tpu.memref_slice %arg11[%arg1, %dma_start3A_37] : memref<16x8192xf32, #tpu.memory_space<vmem_shared>> -> memref<1x8192xf32, #tpu.memory_space<vmem_shared>>
      %dma_start3A_39 = tpu.memref_squeeze %dma_start3A_38 : memref<1x8192xf32, #tpu.memory_space<vmem_shared>> -> memref<8192xf32, #tpu.memory_space<vmem_shared>>
      %dma_start3A_40 = arith.constant 0 : i32
      %dma_start3A_41 = tpu.memref_slice %arg11[%arg1, %dma_start3A_40] : memref<16x8192xf32, #tpu.memory_space<vmem_shared>> -> memref<1x8192xf32, #tpu.memory_space<vmem_shared>>
      %dma_start3A_42 = tpu.memref_squeeze %dma_start3A_41 : memref<1x8192xf32, #tpu.memory_space<vmem_shared>> -> memref<8192xf32, #tpu.memory_space<vmem_shared>>
      tpu.enqueue_dma source(%arg8 : memref<8192xf32, #tpu.memory_space<vmem>>) target(%dma_start3A_42 : memref<8192xf32, #tpu.memory_space<vmem_shared>>) target_semaphore(%run_scoped3A : memref<!tpu.dma_semaphore, #tpu.memory_space<semaphore_mem>>)
      %dma_wait3A_43 = arith.constant 0 : i32
      %dma_wait3A_44 = tpu.memref_slice %arg11[%arg1, %dma_wait3A_43] : memref<16x8192xf32, #tpu.memory_space<vmem_shared>> -> memref<1x8192xf32, #tpu.memory_space<vmem_shared>>
      %dma_wait3A_45 = tpu.memref_squeeze %dma_wait3A_44 : memref<1x8192xf32, #tpu.memory_space<vmem_shared>> -> memref<8192xf32, #tpu.memory_space<vmem_shared>>
      %dma_wait3A_46 = arith.constant 0 : i32
      %dma_wait3A_47 = tpu.memref_slice %arg11[%arg1, %dma_wait3A_46] : memref<16x8192xf32, #tpu.memory_space<vmem_shared>> -> memref<1x8192xf32, #tpu.memory_space<vmem_shared>>
      %dma_wait3A_48 = tpu.memref_squeeze %dma_wait3A_47 : memref<1x8192xf32, #tpu.memory_space<vmem_shared>> -> memref<8192xf32, #tpu.memory_space<vmem_shared>>
      tpu.wait_dma2 semaphore(%run_scoped3A : memref<!tpu.dma_semaphore, #tpu.memory_space<semaphore_mem>>) src(%arg8 : memref<8192xf32, #tpu.memory_space<vmem>>) dst(%dma_wait3A_48 : memref<8192xf32, #tpu.memory_space<vmem_shared>>)
      tpu.yield
    }) : () -> ()
    %barrier3A = arith.constant 0 : index
    tpu.barrier barrier_id(%barrier3A)
    %mul3A_19 = arith.constant 512 : i32
    %mul3A_20 = arith.muli %arg1, %mul3A_19 : i32
    %scan3A_21 = arith.constant 0 : i32
    %scan3A_22 = arith.constant 0 : i32
    %scan3A_23 = arith.constant 32 : i32
    %scan3A_24 = arith.addi %scan3A_22, %scan3A_23 : i32
    %scan3A_25 = arith.constant 1 : i32
    %scan3A_26 = scf.for %scan3A_37 = %scan3A_22 to %scan3A_24 step %scan3A_25 iter_args(%scan3A_38 = %scan3A_21) -> (i32)  : i32 {
      %broadcast_in_dim3A_39 = arith.constant 0.000000e+00 : f32
      %broadcast_in_dim3A_40 = vector.broadcast %broadcast_in_dim3A_39 : f32 to vector<16xf32>
      %mul3A_41 = arith.constant 16 : i32
      %mul3A_42 = arith.muli %scan3A_37, %mul3A_41 : i32
      %swap3A = arith.index_cast %mul3A_42 : i32 to index
      %swap3A_43 = tpu.vector_load %arg9[%swap3A] {strides = array<i32>} : memref<512xf32, #tpu.memory_space<vmem>>, vector<16xf32>,
      tpu.vector_store %arg9[%swap3A], %broadcast_in_dim3A_40 {strides = array<i32>} : memref<512xf32, #tpu.memory_space<vmem>>, vector<16xf32>,
      %scan3A_44 = arith.constant 0 : i32
      scf.yield %scan3A_44 : i32
    }
    %scan3A_27 = arith.constant 32 : i32
    %scan3A_28 = arith.constant 0 : i32
    %scan3A_29 = arith.constant 0 : i32
    %scan3A_30 = arith.constant 16 : i32
    %scan3A_31 = arith.addi %scan3A_29, %scan3A_30 : i32
    %scan3A_32 = arith.constant 1 : i32
    %scan3A_33 = scf.for %scan3A_37 = %scan3A_29 to %scan3A_31 step %scan3A_32 iter_args(%scan3A_38 = %scan3A_28) -> (i32)  : i32 {
      "tpu.region"() ({
        %run_scoped3A = tpu.sem_alloc : memref<!tpu.dma_semaphore, #tpu.memory_space<semaphore_mem>>
        %dma_start3A_262 = tpu.memref_slice %arg11[%scan3A_37, %mul3A_20] : memref<16x8192xf32, #tpu.memory_space<vmem_shared>> -> memref<1x512xf32, #tpu.memory_space<vmem_shared>>
        %dma_start3A_263 = tpu.memref_squeeze %dma_start3A_262 : memref<1x512xf32, #tpu.memory_space<vmem_shared>> -> memref<512xf32, #tpu.memory_space<vmem_shared>>
        %dma_start3A_264 = tpu.memref_slice %arg11[%scan3A_37, %mul3A_20] : memref<16x8192xf32, #tpu.memory_space<vmem_shared>> -> memref<1x512xf32, #tpu.memory_space<vmem_shared>>
        %dma_start3A_265 = tpu.memref_squeeze %dma_start3A_264 : memref<1x512xf32, #tpu.memory_space<vmem_shared>> -> memref<512xf32, #tpu.memory_space<vmem_shared>>
        tpu.enqueue_dma source(%dma_start3A_265 : memref<512xf32, #tpu.memory_space<vmem_shared>>) target(%arg10 : memref<512xf32, #tpu.memory_space<vmem>>) target_semaphore(%run_scoped3A : memref<!tpu.dma_semaphore, #tpu.memory_space<semaphore_mem>>)
        %dma_wait3A_266 = tpu.memref_slice %arg11[%scan3A_37, %mul3A_20] : memref<16x8192xf32, #tpu.memory_space<vmem_shared>> -> memref<1x512xf32, #tpu.memory_space<vmem_shared>>
        %dma_wait3A_267 = tpu.memref_squeeze %dma_wait3A_266 : memref<1x512xf32, #tpu.memory_space<vmem_shared>> -> memref<512xf32, #tpu.memory_space<vmem_shared>>
        %dma_wait3A_268 = tpu.memref_slice %arg11[%scan3A_37, %mul3A_20] : memref<16x8192xf32, #tpu.memory_space<vmem_shared>> -> memref<1x512xf32, #tpu.memory_space<vmem_shared>>
        %dma_wait3A_269 = tpu.memref_squeeze %dma_wait3A_268 : memref<1x512xf32, #tpu.memory_space<vmem_shared>> -> memref<512xf32, #tpu.memory_space<vmem_shared>>
        tpu.wait_dma2 semaphore(%run_scoped3A : memref<!tpu.dma_semaphore, #tpu.memory_space<semaphore_mem>>) src(%dma_wait3A_269 : memref<512xf32, #tpu.memory_space<vmem_shared>>) dst(%arg10 : memref<512xf32, #tpu.memory_space<vmem>>)
        tpu.yield
      }) : () -> ()
      %get3A = arith.constant 0 : index
      %get3A_39 = tpu.vector_load %arg9[%get3A] {strides = array<i32>} : memref<512xf32, #tpu.memory_space<vmem>>, vector<16xf32>,
      %get3A_40 = arith.constant 0 : index
      %get3A_41 = tpu.vector_load %arg10[%get3A_40] {strides = array<i32>} : memref<512xf32, #tpu.memory_space<vmem>>, vector<16xf32>,
      %add3A_42 = arith.addf %get3A_39, %get3A_41 : vector<16xf32>
      %swap3A = arith.constant 0 : index
      %swap3A_43 = tpu.vector_load %arg9[%swap3A] {strides = array<i32>} : memref<512xf32, #tpu.memory_space<vmem>>, vector<16xf32>,
      tpu.vector_store %arg9[%swap3A], %add3A_42 {strides = array<i32>} : memref<512xf32, #tpu.memory_space<vmem>>, vector<16xf32>,
      %get3A_44 = arith.constant 16 : index
      %get3A_45 = tpu.vector_load %arg9[%get3A_44] {strides = array<i32>} : memref<512xf32, #tpu.memory_space<vmem>>, vector<16xf32>,
      %get3A_46 = arith.constant 16 : index
      %get3A_47 = tpu.vector_load %arg10[%get3A_46] {strides = array<i32>} : memref<512xf32, #tpu.memory_space<vmem>>, vector<16xf32>,
      %add3A_48 = arith.addf %get3A_45, %get3A_47 : vector<16xf32>
      %swap3A_49 = arith.constant 16 : index
      %swap3A_50 = tpu.vector_load %arg9[%swap3A_49] {strides = array<i32>} : memref<512xf32, #tpu.memory_space<vmem>>, vector<16xf32>,
      tpu.vector_store %arg9[%swap3A_49], %add3A_48 {strides = array<i32>} : memref<512xf32, #tpu.memory_space<vmem>>, vector<16xf32>,
      %get3A_51 = arith.constant 32 : index
      %get3A_52 = tpu.vector_load %arg9[%get3A_51] {strides = array<i32>} : memref<512xf32, #tpu.memory_space<vmem>>, vector<16xf32>,
      %get3A_53 = arith.constant 32 : index
      %get3A_54 = tpu.vector_load %arg10[%get3A_53] {strides = array<i32>} : memref<512xf32, #tpu.memory_space<vmem>>, vector<16xf32>,
      %add3A_55 = arith.addf %get3A_52, %get3A_54 : vector<16xf32>
      %swap3A_56 = arith.constant 32 : index
      %swap3A_57 = tpu.vector_load %arg9[%swap3A_56] {strides = array<i32>} : memref<512xf32, #tpu.memory_space<vmem>>, vector<16xf32>,
      tpu.vector_store %arg9[%swap3A_56], %add3A_55 {strides = array<i32>} : memref<512xf32, #tpu.memory_space<vmem>>, vector<16xf32>,
      %get3A_58 = arith.constant 48 : index
      %get3A_59 = tpu.vector_load %arg9[%get3A_58] {strides = array<i32>} : memref<512xf32, #tpu.memory_space<vmem>>, vector<16xf32>,
      %get3A_60 = arith.constant 48 : index
      %get3A_61 = tpu.vector_load %arg10[%get3A_60] {strides = array<i32>} : memref<512xf32, #tpu.memory_space<vmem>>, vector<16xf32>,
      %add3A_62 = arith.addf %get3A_59, %get3A_61 : vector<16xf32>
      %swap3A_63 = arith.constant 48 : index
      %swap3A_64 = tpu.vector_load %arg9[%swap3A_63] {strides = array<i32>} : memref<512xf32, #tpu.memory_space<vmem>>, vector<16xf32>,
      tpu.vector_store %arg9[%swap3A_63], %add3A_62 {strides = array<i32>} : memref<512xf32, #tpu.memory_space<vmem>>, vector<16xf32>,
      %get3A_65 = arith.constant 64 : index
      %get3A_66 = tpu.vector_load %arg9[%get3A_65] {strides = array<i32>} : memref<512xf32, #tpu.memory_space<vmem>>, vector<16xf32>,
      %get3A_67 = arith.constant 64 : index
      %get3A_68 = tpu.vector_load %arg10[%get3A_67] {strides = array<i32>} : memref<512xf32, #tpu.memory_space<vmem>>, vector<16xf32>,
      %add3A_69 = arith.addf %get3A_66, %get3A_68 : vector<16xf32>
      %swap3A_70 = arith.constant 64 : index
      %swap3A_71 = tpu.vector_load %arg9[%swap3A_70] {strides = array<i32>} : memref<512xf32, #tpu.memory_space<vmem>>, vector<16xf32>,
      tpu.vector_store %arg9[%swap3A_70], %add3A_69 {strides = array<i32>} : memref<512xf32, #tpu.memory_space<vmem>>, vector<16xf32>,
      %get3A_72 = arith.constant 80 : index
      %get3A_73 = tpu.vector_load %arg9[%get3A_72] {strides = array<i32>} : memref<512xf32, #tpu.memory_space<vmem>>, vector<16xf32>,
      %get3A_74 = arith.constant 80 : index
      %get3A_75 = tpu.vector_load %arg10[%get3A_74] {strides = array<i32>} : memref<512xf32, #tpu.memory_space<vmem>>, vector<16xf32>,
      %add3A_76 = arith.addf %get3A_73, %get3A_75 : vector<16xf32>
      %swap3A_77 = arith.constant 80 : index
      %swap3A_78 = tpu.vector_load %arg9[%swap3A_77] {strides = array<i32>} : memref<512xf32, #tpu.memory_space<vmem>>, vector<16xf32>,
      tpu.vector_store %arg9[%swap3A_77], %add3A_76 {strides = array<i32>} : memref<512xf32, #tpu.memory_space<vmem>>, vector<16xf32>,
      %get3A_79 = arith.constant 96 : index
      %get3A_80 = tpu.vector_load %arg9[%get3A_79] {strides = array<i32>} : memref<512xf32, #tpu.memory_space<vmem>>, vector<16xf32>,
      %get3A_81 = arith.constant 96 : index
      %get3A_82 = tpu.vector_load %arg10[%get3A_81] {strides = array<i32>} : memref<512xf32, #tpu.memory_space<vmem>>, vector<16xf32>,
      %add3A_83 = arith.addf %get3A_80, %get3A_82 : vector<16xf32>
      %swap3A_84 = arith.constant 96 : index
      %swap3A_85 = tpu.vector_load %arg9[%swap3A_84] {strides = array<i32>} : memref<512xf32, #tpu.memory_space<vmem>>, vector<16xf32>,
      tpu.vector_store %arg9[%swap3A_84], %add3A_83 {strides = array<i32>} : memref<512xf32, #tpu.memory_space<vmem>>, vector<16xf32>,
      %get3A_86 = arith.constant 112 : index
      %get3A_87 = tpu.vector_load %arg9[%get3A_86] {strides = array<i32>} : memref<512xf32, #tpu.memory_space<vmem>>, vector<16xf32>,
      %get3A_88 = arith.constant 112 : index
      %get3A_89 = tpu.vector_load %arg10[%get3A_88] {strides = array<i32>} : memref<512xf32, #tpu.memory_space<vmem>>, vector<16xf32>,
      %add3A_90 = arith.addf %get3A_87, %get3A_89 : vector<16xf32>
      %swap3A_91 = arith.constant 112 : index
      %swap3A_92 = tpu.vector_load %arg9[%swap3A_91] {strides = array<i32>} : memref<512xf32, #tpu.memory_space<vmem>>, vector<16xf32>,
      tpu.vector_store %arg9[%swap3A_91], %add3A_90 {strides = array<i32>} : memref<512xf32, #tpu.memory_space<vmem>>, vector<16xf32>,
      %get3A_93 = arith.constant 128 : index
      %get3A_94 = tpu.vector_load %arg9[%get3A_93] {strides = array<i32>} : memref<512xf32, #tpu.memory_space<vmem>>, vector<16xf32>,
      %get3A_95 = arith.constant 128 : index
      %get3A_96 = tpu.vector_load %arg10[%get3A_95] {strides = array<i32>} : memref<512xf32, #tpu.memory_space<vmem>>, vector<16xf32>,
      %add3A_97 = arith.addf %get3A_94, %get3A_96 : vector<16xf32>
      %swap3A_98 = arith.constant 128 : index
      %swap3A_99 = tpu.vector_load %arg9[%swap3A_98] {strides = array<i32>} : memref<512xf32, #tpu.memory_space<vmem>>, vector<16xf32>,
      tpu.vector_store %arg9[%swap3A_98], %add3A_97 {strides = array<i32>} : memref<512xf32, #tpu.memory_space<vmem>>, vector<16xf32>,
      %get3A_100 = arith.constant 144 : index
      %get3A_101 = tpu.vector_load %arg9[%get3A_100] {strides = array<i32>} : memref<512xf32, #tpu.memory_space<vmem>>, vector<16xf32>,
      %get3A_102 = arith.constant 144 : index
      %get3A_103 = tpu.vector_load %arg10[%get3A_102] {strides = array<i32>} : memref<512xf32, #tpu.memory_space<vmem>>, vector<16xf32>,
      %add3A_104 = arith.addf %get3A_101, %get3A_103 : vector<16xf32>
      %swap3A_105 = arith.constant 144 : index
      %swap3A_106 = tpu.vector_load %arg9[%swap3A_105] {strides = array<i32>} : memref<512xf32, #tpu.memory_space<vmem>>, vector<16xf32>,
      tpu.vector_store %arg9[%swap3A_105], %add3A_104 {strides = array<i32>} : memref<512xf32, #tpu.memory_space<vmem>>, vector<16xf32>,
      %get3A_107 = arith.constant 160 : index
      %get3A_108 = tpu.vector_load %arg9[%get3A_107] {strides = array<i32>} : memref<512xf32, #tpu.memory_space<vmem>>, vector<16xf32>,
      %get3A_109 = arith.constant 160 : index
      %get3A_110 = tpu.vector_load %arg10[%get3A_109] {strides = array<i32>} : memref<512xf32, #tpu.memory_space<vmem>>, vector<16xf32>,
      %add3A_111 = arith.addf %get3A_108, %get3A_110 : vector<16xf32>
      %swap3A_112 = arith.constant 160 : index
      %swap3A_113 = tpu.vector_load %arg9[%swap3A_112] {strides = array<i32>} : memref<512xf32, #tpu.memory_space<vmem>>, vector<16xf32>,
      tpu.vector_store %arg9[%swap3A_112], %add3A_111 {strides = array<i32>} : memref<512xf32, #tpu.memory_space<vmem>>, vector<16xf32>,
      %get3A_114 = arith.constant 176 : index
      %get3A_115 = tpu.vector_load %arg9[%get3A_114] {strides = array<i32>} : memref<512xf32, #tpu.memory_space<vmem>>, vector<16xf32>,
      %get3A_116 = arith.constant 176 : index
      %get3A_117 = tpu.vector_load %arg10[%get3A_116] {strides = array<i32>} : memref<512xf32, #tpu.memory_space<vmem>>, vector<16xf32>,
      %add3A_118 = arith.addf %get3A_115, %get3A_117 : vector<16xf32>
      %swap3A_119 = arith.constant 176 : index
      %swap3A_120 = tpu.vector_load %arg9[%swap3A_119] {strides = array<i32>} : memref<512xf32, #tpu.memory_space<vmem>>, vector<16xf32>,
      tpu.vector_store %arg9[%swap3A_119], %add3A_118 {strides = array<i32>} : memref<512xf32, #tpu.memory_space<vmem>>, vector<16xf32>,
      %get3A_121 = arith.constant 192 : index
      %get3A_122 = tpu.vector_load %arg9[%get3A_121] {strides = array<i32>} : memref<512xf32, #tpu.memory_space<vmem>>, vector<16xf32>,
      %get3A_123 = arith.constant 192 : index
      %get3A_124 = tpu.vector_load %arg10[%get3A_123] {strides = array<i32>} : memref<512xf32, #tpu.memory_space<vmem>>, vector<16xf32>,
      %add3A_125 = arith.addf %get3A_122, %get3A_124 : vector<16xf32>
      %swap3A_126 = arith.constant 192 : index
      %swap3A_127 = tpu.vector_load %arg9[%swap3A_126] {strides = array<i32>} : memref<512xf32, #tpu.memory_space<vmem>>, vector<16xf32>,
      tpu.vector_store %arg9[%swap3A_126], %add3A_125 {strides = array<i32>} : memref<512xf32, #tpu.memory_space<vmem>>, vector<16xf32>,
      %get3A_128 = arith.constant 208 : index
      %get3A_129 = tpu.vector_load %arg9[%get3A_128] {strides = array<i32>} : memref<512xf32, #tpu.memory_space<vmem>>, vector<16xf32>,
      %get3A_130 = arith.constant 208 : index
      %get3A_131 = tpu.vector_load %arg10[%get3A_130] {strides = array<i32>} : memref<512xf32, #tpu.memory_space<vmem>>, vector<16xf32>,
      %add3A_132 = arith.addf %get3A_129, %get3A_131 : vector<16xf32>
      %swap3A_133 = arith.constant 208 : index
      %swap3A_134 = tpu.vector_load %arg9[%swap3A_133] {strides = array<i32>} : memref<512xf32, #tpu.memory_space<vmem>>, vector<16xf32>,
      tpu.vector_store %arg9[%swap3A_133], %add3A_132 {strides = array<i32>} : memref<512xf32, #tpu.memory_space<vmem>>, vector<16xf32>,
      %get3A_135 = arith.constant 224 : index
      %get3A_136 = tpu.vector_load %arg9[%get3A_135] {strides = array<i32>} : memref<512xf32, #tpu.memory_space<vmem>>, vector<16xf32>,
      %get3A_137 = arith.constant 224 : index
      %get3A_138 = tpu.vector_load %arg10[%get3A_137] {strides = array<i32>} : memref<512xf32, #tpu.memory_space<vmem>>, vector<16xf32>,
      %add3A_139 = arith.addf %get3A_136, %get3A_138 : vector<16xf32>
      %swap3A_140 = arith.constant 224 : index
      %swap3A_141 = tpu.vector_load %arg9[%swap3A_140] {strides = array<i32>} : memref<512xf32, #tpu.memory_space<vmem>>, vector<16xf32>,
      tpu.vector_store %arg9[%swap3A_140], %add3A_139 {strides = array<i32>} : memref<512xf32, #tpu.memory_space<vmem>>, vector<16xf32>,
      %get3A_142 = arith.constant 240 : index
      %get3A_143 = tpu.vector_load %arg9[%get3A_142] {strides = array<i32>} : memref<512xf32, #tpu.memory_space<vmem>>, vector<16xf32>,
      %get3A_144 = arith.constant 240 : index
      %get3A_145 = tpu.vector_load %arg10[%get3A_144] {strides = array<i32>} : memref<512xf32, #tpu.memory_space<vmem>>, vector<16xf32>,
      %add3A_146 = arith.addf %get3A_143, %get3A_145 : vector<16xf32>
      %swap3A_147 = arith.constant 240 : index
      %swap3A_148 = tpu.vector_load %arg9[%swap3A_147] {strides = array<i32>} : memref<512xf32, #tpu.memory_space<vmem>>, vector<16xf32>,
      tpu.vector_store %arg9[%swap3A_147], %add3A_146 {strides = array<i32>} : memref<512xf32, #tpu.memory_space<vmem>>, vector<16xf32>,
      %get3A_149 = arith.constant 256 : index
      %get3A_150 = tpu.vector_load %arg9[%get3A_149] {strides = array<i32>} : memref<512xf32, #tpu.memory_space<vmem>>, vector<16xf32>,
      %get3A_151 = arith.constant 256 : index
      %get3A_152 = tpu.vector_load %arg10[%get3A_151] {strides = array<i32>} : memref<512xf32, #tpu.memory_space<vmem>>, vector<16xf32>,
      %add3A_153 = arith.addf %get3A_150, %get3A_152 : vector<16xf32>
      %swap3A_154 = arith.constant 256 : index
      %swap3A_155 = tpu.vector_load %arg9[%swap3A_154] {strides = array<i32>} : memref<512xf32, #tpu.memory_space<vmem>>, vector<16xf32>,
      tpu.vector_store %arg9[%swap3A_154], %add3A_153 {strides = array<i32>} : memref<512xf32, #tpu.memory_space<vmem>>, vector<16xf32>,
      %get3A_156 = arith.constant 272 : index
      %get3A_157 = tpu.vector_load %arg9[%get3A_156] {strides = array<i32>} : memref<512xf32, #tpu.memory_space<vmem>>, vector<16xf32>,
      %get3A_158 = arith.constant 272 : index
      %get3A_159 = tpu.vector_load %arg10[%get3A_158] {strides = array<i32>} : memref<512xf32, #tpu.memory_space<vmem>>, vector<16xf32>,
      %add3A_160 = arith.addf %get3A_157, %get3A_159 : vector<16xf32>
      %swap3A_161 = arith.constant 272 : index
      %swap3A_162 = tpu.vector_load %arg9[%swap3A_161] {strides = array<i32>} : memref<512xf32, #tpu.memory_space<vmem>>, vector<16xf32>,
      tpu.vector_store %arg9[%swap3A_161], %add3A_160 {strides = array<i32>} : memref<512xf32, #tpu.memory_space<vmem>>, vector<16xf32>,
      %get3A_163 = arith.constant 288 : index
      %get3A_164 = tpu.vector_load %arg9[%get3A_163] {strides = array<i32>} : memref<512xf32, #tpu.memory_space<vmem>>, vector<16xf32>,
      %get3A_165 = arith.constant 288 : index
      %get3A_166 = tpu.vector_load %arg10[%get3A_165] {strides = array<i32>} : memref<512xf32, #tpu.memory_space<vmem>>, vector<16xf32>,
      %add3A_167 = arith.addf %get3A_164, %get3A_166 : vector<16xf32>
      %swap3A_168 = arith.constant 288 : index
      %swap3A_169 = tpu.vector_load %arg9[%swap3A_168] {strides = array<i32>} : memref<512xf32, #tpu.memory_space<vmem>>, vector<16xf32>,
      tpu.vector_store %arg9[%swap3A_168], %add3A_167 {strides = array<i32>} : memref<512xf32, #tpu.memory_space<vmem>>, vector<16xf32>,
      %get3A_170 = arith.constant 304 : index
      %get3A_171 = tpu.vector_load %arg9[%get3A_170] {strides = array<i32>} : memref<512xf32, #tpu.memory_space<vmem>>, vector<16xf32>,
      %get3A_172 = arith.constant 304 : index
      %get3A_173 = tpu.vector_load %arg10[%get3A_172] {strides = array<i32>} : memref<512xf32, #tpu.memory_space<vmem>>, vector<16xf32>,
      %add3A_174 = arith.addf %get3A_171, %get3A_173 : vector<16xf32>
      %swap3A_175 = arith.constant 304 : index
      %swap3A_176 = tpu.vector_load %arg9[%swap3A_175] {strides = array<i32>} : memref<512xf32, #tpu.memory_space<vmem>>, vector<16xf32>,
      tpu.vector_store %arg9[%swap3A_175], %add3A_174 {strides = array<i32>} : memref<512xf32, #tpu.memory_space<vmem>>, vector<16xf32>,
      %get3A_177 = arith.constant 320 : index
      %get3A_178 = tpu.vector_load %arg9[%get3A_177] {strides = array<i32>} : memref<512xf32, #tpu.memory_space<vmem>>, vector<16xf32>,
      %get3A_179 = arith.constant 320 : index
      %get3A_180 = tpu.vector_load %arg10[%get3A_179] {strides = array<i32>} : memref<512xf32, #tpu.memory_space<vmem>>, vector<16xf32>,
      %add3A_181 = arith.addf %get3A_178, %get3A_180 : vector<16xf32>
      %swap3A_182 = arith.constant 320 : index
      %swap3A_183 = tpu.vector_load %arg9[%swap3A_182] {strides = array<i32>} : memref<512xf32, #tpu.memory_space<vmem>>, vector<16xf32>,
      tpu.vector_store %arg9[%swap3A_182], %add3A_181 {strides = array<i32>} : memref<512xf32, #tpu.memory_space<vmem>>, vector<16xf32>,
      %get3A_184 = arith.constant 336 : index
      %get3A_185 = tpu.vector_load %arg9[%get3A_184] {strides = array<i32>} : memref<512xf32, #tpu.memory_space<vmem>>, vector<16xf32>,
      %get3A_186 = arith.constant 336 : index
      %get3A_187 = tpu.vector_load %arg10[%get3A_186] {strides = array<i32>} : memref<512xf32, #tpu.memory_space<vmem>>, vector<16xf32>,
      %add3A_188 = arith.addf %get3A_185, %get3A_187 : vector<16xf32>
      %swap3A_189 = arith.constant 336 : index
      %swap3A_190 = tpu.vector_load %arg9[%swap3A_189] {strides = array<i32>} : memref<512xf32, #tpu.memory_space<vmem>>, vector<16xf32>,
      tpu.vector_store %arg9[%swap3A_189], %add3A_188 {strides = array<i32>} : memref<512xf32, #tpu.memory_space<vmem>>, vector<16xf32>,
      %get3A_191 = arith.constant 352 : index
      %get3A_192 = tpu.vector_load %arg9[%get3A_191] {strides = array<i32>} : memref<512xf32, #tpu.memory_space<vmem>>, vector<16xf32>,
      %get3A_193 = arith.constant 352 : index
      %get3A_194 = tpu.vector_load %arg10[%get3A_193] {strides = array<i32>} : memref<512xf32, #tpu.memory_space<vmem>>, vector<16xf32>,
      %add3A_195 = arith.addf %get3A_192, %get3A_194 : vector<16xf32>
      %swap3A_196 = arith.constant 352 : index
      %swap3A_197 = tpu.vector_load %arg9[%swap3A_196] {strides = array<i32>} : memref<512xf32, #tpu.memory_space<vmem>>, vector<16xf32>,
      tpu.vector_store %arg9[%swap3A_196], %add3A_195 {strides = array<i32>} : memref<512xf32, #tpu.memory_space<vmem>>, vector<16xf32>,
      %get3A_198 = arith.constant 368 : index
      %get3A_199 = tpu.vector_load %arg9[%get3A_198] {strides = array<i32>} : memref<512xf32, #tpu.memory_space<vmem>>, vector<16xf32>,
      %get3A_200 = arith.constant 368 : index
      %get3A_201 = tpu.vector_load %arg10[%get3A_200] {strides = array<i32>} : memref<512xf32, #tpu.memory_space<vmem>>, vector<16xf32>,
      %add3A_202 = arith.addf %get3A_199, %get3A_201 : vector<16xf32>
      %swap3A_203 = arith.constant 368 : index
      %swap3A_204 = tpu.vector_load %arg9[%swap3A_203] {strides = array<i32>} : memref<512xf32, #tpu.memory_space<vmem>>, vector<16xf32>,
      tpu.vector_store %arg9[%swap3A_203], %add3A_202 {strides = array<i32>} : memref<512xf32, #tpu.memory_space<vmem>>, vector<16xf32>,
      %get3A_205 = arith.constant 384 : index
      %get3A_206 = tpu.vector_load %arg9[%get3A_205] {strides = array<i32>} : memref<512xf32, #tpu.memory_space<vmem>>, vector<16xf32>,
      %get3A_207 = arith.constant 384 : index
      %get3A_208 = tpu.vector_load %arg10[%get3A_207] {strides = array<i32>} : memref<512xf32, #tpu.memory_space<vmem>>, vector<16xf32>,
      %add3A_209 = arith.addf %get3A_206, %get3A_208 : vector<16xf32>
      %swap3A_210 = arith.constant 384 : index
      %swap3A_211 = tpu.vector_load %arg9[%swap3A_210] {strides = array<i32>} : memref<512xf32, #tpu.memory_space<vmem>>, vector<16xf32>,
      tpu.vector_store %arg9[%swap3A_210], %add3A_209 {strides = array<i32>} : memref<512xf32, #tpu.memory_space<vmem>>, vector<16xf32>,
      %get3A_212 = arith.constant 400 : index
      %get3A_213 = tpu.vector_load %arg9[%get3A_212] {strides = array<i32>} : memref<512xf32, #tpu.memory_space<vmem>>, vector<16xf32>,
      %get3A_214 = arith.constant 400 : index
      %get3A_215 = tpu.vector_load %arg10[%get3A_214] {strides = array<i32>} : memref<512xf32, #tpu.memory_space<vmem>>, vector<16xf32>,
      %add3A_216 = arith.addf %get3A_213, %get3A_215 : vector<16xf32>
      %swap3A_217 = arith.constant 400 : index
      %swap3A_218 = tpu.vector_load %arg9[%swap3A_217] {strides = array<i32>} : memref<512xf32, #tpu.memory_space<vmem>>, vector<16xf32>,
      tpu.vector_store %arg9[%swap3A_217], %add3A_216 {strides = array<i32>} : memref<512xf32, #tpu.memory_space<vmem>>, vector<16xf32>,
      %get3A_219 = arith.constant 416 : index
      %get3A_220 = tpu.vector_load %arg9[%get3A_219] {strides = array<i32>} : memref<512xf32, #tpu.memory_space<vmem>>, vector<16xf32>,
      %get3A_221 = arith.constant 416 : index
      %get3A_222 = tpu.vector_load %arg10[%get3A_221] {strides = array<i32>} : memref<512xf32, #tpu.memory_space<vmem>>, vector<16xf32>,
      %add3A_223 = arith.addf %get3A_220, %get3A_222 : vector<16xf32>
      %swap3A_224 = arith.constant 416 : index
      %swap3A_225 = tpu.vector_load %arg9[%swap3A_224] {strides = array<i32>} : memref<512xf32, #tpu.memory_space<vmem>>, vector<16xf32>,
      tpu.vector_store %arg9[%swap3A_224], %add3A_223 {strides = array<i32>} : memref<512xf32, #tpu.memory_space<vmem>>, vector<16xf32>,
      %get3A_226 = arith.constant 432 : index
      %get3A_227 = tpu.vector_load %arg9[%get3A_226] {strides = array<i32>} : memref<512xf32, #tpu.memory_space<vmem>>, vector<16xf32>,
      %get3A_228 = arith.constant 432 : index
      %get3A_229 = tpu.vector_load %arg10[%get3A_228] {strides = array<i32>} : memref<512xf32, #tpu.memory_space<vmem>>, vector<16xf32>,
      %add3A_230 = arith.addf %get3A_227, %get3A_229 : vector<16xf32>
      %swap3A_231 = arith.constant 432 : index
      %swap3A_232 = tpu.vector_load %arg9[%swap3A_231] {strides = array<i32>} : memref<512xf32, #tpu.memory_space<vmem>>, vector<16xf32>,
      tpu.vector_store %arg9[%swap3A_231], %add3A_230 {strides = array<i32>} : memref<512xf32, #tpu.memory_space<vmem>>, vector<16xf32>,
      %get3A_233 = arith.constant 448 : index
      %get3A_234 = tpu.vector_load %arg9[%get3A_233] {strides = array<i32>} : memref<512xf32, #tpu.memory_space<vmem>>, vector<16xf32>,
      %get3A_235 = arith.constant 448 : index
      %get3A_236 = tpu.vector_load %arg10[%get3A_235] {strides = array<i32>} : memref<512xf32, #tpu.memory_space<vmem>>, vector<16xf32>,
      %add3A_237 = arith.addf %get3A_234, %get3A_236 : vector<16xf32>
      %swap3A_238 = arith.constant 448 : index
      %swap3A_239 = tpu.vector_load %arg9[%swap3A_238] {strides = array<i32>} : memref<512xf32, #tpu.memory_space<vmem>>, vector<16xf32>,
      tpu.vector_store %arg9[%swap3A_238], %add3A_237 {strides = array<i32>} : memref<512xf32, #tpu.memory_space<vmem>>, vector<16xf32>,
      %get3A_240 = arith.constant 464 : index
      %get3A_241 = tpu.vector_load %arg9[%get3A_240] {strides = array<i32>} : memref<512xf32, #tpu.memory_space<vmem>>, vector<16xf32>,
      %get3A_242 = arith.constant 464 : index
      %get3A_243 = tpu.vector_load %arg10[%get3A_242] {strides = array<i32>} : memref<512xf32, #tpu.memory_space<vmem>>, vector<16xf32>,
      %add3A_244 = arith.addf %get3A_241, %get3A_243 : vector<16xf32>
      %swap3A_245 = arith.constant 464 : index
      %swap3A_246 = tpu.vector_load %arg9[%swap3A_245] {strides = array<i32>} : memref<512xf32, #tpu.memory_space<vmem>>, vector<16xf32>,
      tpu.vector_store %arg9[%swap3A_245], %add3A_244 {strides = array<i32>} : memref<512xf32, #tpu.memory_space<vmem>>, vector<16xf32>,
      %get3A_247 = arith.constant 480 : index
      %get3A_248 = tpu.vector_load %arg9[%get3A_247] {strides = array<i32>} : memref<512xf32, #tpu.memory_space<vmem>>, vector<16xf32>,
      %get3A_249 = arith.constant 480 : index
      %get3A_250 = tpu.vector_load %arg10[%get3A_249] {strides = array<i32>} : memref<512xf32, #tpu.memory_space<vmem>>, vector<16xf32>,
      %add3A_251 = arith.addf %get3A_248, %get3A_250 : vector<16xf32>
      %swap3A_252 = arith.constant 480 : index
      %swap3A_253 = tpu.vector_load %arg9[%swap3A_252] {strides = array<i32>} : memref<512xf32, #tpu.memory_space<vmem>>, vector<16xf32>,
      tpu.vector_store %arg9[%swap3A_252], %add3A_251 {strides = array<i32>} : memref<512xf32, #tpu.memory_space<vmem>>, vector<16xf32>,
      %get3A_254 = arith.constant 496 : index
      %get3A_255 = tpu.vector_load %arg9[%get3A_254] {strides = array<i32>} : memref<512xf32, #tpu.memory_space<vmem>>, vector<16xf32>,
      %get3A_256 = arith.constant 496 : index
      %get3A_257 = tpu.vector_load %arg10[%get3A_256] {strides = array<i32>} : memref<512xf32, #tpu.memory_space<vmem>>, vector<16xf32>,
      %add3A_258 = arith.addf %get3A_255, %get3A_257 : vector<16xf32>
      %swap3A_259 = arith.constant 496 : index
      %swap3A_260 = tpu.vector_load %arg9[%swap3A_259] {strides = array<i32>} : memref<512xf32, #tpu.memory_space<vmem>>, vector<16xf32>,
      tpu.vector_store %arg9[%swap3A_259], %add3A_258 {strides = array<i32>} : memref<512xf32, #tpu.memory_space<vmem>>, vector<16xf32>,
      %scan3A_261 = arith.constant 0 : i32
      scf.yield %scan3A_261 : i32
    }
    %scan3A_34 = arith.constant 16 : i32
    "tpu.region"() ({
      %run_scoped3A = tpu.sem_alloc : memref<!tpu.dma_semaphore, #tpu.memory_space<semaphore_mem>>
      %dma_start3A_37 = tpu.memref_slice %arg5[%arg0, %mul3A_20] : memref<2x8192xf32, #tpu.memory_space<hbm>> -> memref<1x512xf32, #tpu.memory_space<hbm>>
      %dma_start3A_38 = tpu.memref_squeeze %dma_start3A_37 : memref<1x512xf32, #tpu.memory_space<hbm>> -> memref<512xf32, #tpu.memory_space<hbm>>
      %dma_start3A_39 = tpu.memref_slice %arg5[%arg0, %mul3A_20] : memref<2x8192xf32, #tpu.memory_space<hbm>> -> memref<1x512xf32, #tpu.memory_space<hbm>>
      %dma_start3A_40 = tpu.memref_squeeze %dma_start3A_39 : memref<1x512xf32, #tpu.memory_space<hbm>> -> memref<512xf32, #tpu.memory_space<hbm>>
      tpu.enqueue_dma source(%arg9 : memref<512xf32, #tpu.memory_space<vmem>>) target(%dma_start3A_40 : memref<512xf32, #tpu.memory_space<hbm>>) target_semaphore(%run_scoped3A : memref<!tpu.dma_semaphore, #tpu.memory_space<semaphore_mem>>)
      %dma_wait3A_41 = tpu.memref_slice %arg5[%arg0, %mul3A_20] : memref<2x8192xf32, #tpu.memory_space<hbm>> -> memref<1x512xf32, #tpu.memory_space<hbm>>
      %dma_wait3A_42 = tpu.memref_squeeze %dma_wait3A_41 : memref<1x512xf32, #tpu.memory_space<hbm>> -> memref<512xf32, #tpu.memory_space<hbm>>
      %dma_wait3A_43 = tpu.memref_slice %arg5[%arg0, %mul3A_20] : memref<2x8192xf32, #tpu.memory_space<hbm>> -> memref<1x512xf32, #tpu.memory_space<hbm>>
      %dma_wait3A_44 = tpu.memref_squeeze %dma_wait3A_43 : memref<1x512xf32, #tpu.memory_space<hbm>> -> memref<512xf32, #tpu.memory_space<hbm>>
      tpu.wait_dma2 semaphore(%run_scoped3A : memref<!tpu.dma_semaphore, #tpu.memory_space<semaphore_mem>>) src(%arg9 : memref<512xf32, #tpu.memory_space<vmem>>) dst(%dma_wait3A_44 : memref<512xf32, #tpu.memory_space<hbm>>)
      tpu.yield
    }) : () -> ()
    %dma_wait3A = arith.constant 0 : i32
    %dma_wait3A_35 = arith.constant 0 : i32
    %dma_wait3A_36 = tpu.memref_slice %arg2[%dma_wait3A, %dma_wait3A_35] : memref<8192x256xf32, #tpu.memory_space<hbm>> -> memref<8192x256xf32, #tpu.memory_space<hbm>>
    tpu.wait_indirect_dma semaphore(%arg12 : memref<!tpu.dma_semaphore, #tpu.memory_space<semaphore_mem>>) src(%dma_wait3A_36 : memref<8192x256xf32, #tpu.memory_space<hbm>>) dst(%arg7 : memref<256x256xf32, #tpu.memory_space<vmem>>)
    "tpu.region"() ({
      %run_scoped3A = tpu.sem_alloc : memref<!tpu.dma_semaphore, #tpu.memory_space<semaphore_mem>>
      %dma_start3A_37 = arith.constant 0 : i32
      %dma_start3A_38 = tpu.memref_slice %arg4[%mul3A_2, %dma_start3A_37] : memref<8192x256xf32, #tpu.memory_space<hbm>> -> memref<256x256xf32, #tpu.memory_space<hbm>>
      %dma_start3A_39 = arith.constant 0 : i32
      %dma_start3A_40 = tpu.memref_slice %arg4[%mul3A_2, %dma_start3A_39] : memref<8192x256xf32, #tpu.memory_space<hbm>> -> memref<256x256xf32, #tpu.memory_space<hbm>>
      tpu.enqueue_dma source(%arg7 : memref<256x256xf32, #tpu.memory_space<vmem>>) target(%dma_start3A_40 : memref<256x256xf32, #tpu.memory_space<hbm>>) target_semaphore(%run_scoped3A : memref<!tpu.dma_semaphore, #tpu.memory_space<semaphore_mem>>)
      %dma_wait3A_41 = arith.constant 0 : i32
      %dma_wait3A_42 = tpu.memref_slice %arg4[%mul3A_2, %dma_wait3A_41] : memref<8192x256xf32, #tpu.memory_space<hbm>> -> memref<256x256xf32, #tpu.memory_space<hbm>>
      %dma_wait3A_43 = arith.constant 0 : i32
      %dma_wait3A_44 = tpu.memref_slice %arg4[%mul3A_2, %dma_wait3A_43] : memref<8192x256xf32, #tpu.memory_space<hbm>> -> memref<256x256xf32, #tpu.memory_space<hbm>>
      tpu.wait_dma2 semaphore(%run_scoped3A : memref<!tpu.dma_semaphore, #tpu.memory_space<semaphore_mem>>) src(%arg7 : memref<256x256xf32, #tpu.memory_space<vmem>>) dst(%dma_wait3A_44 : memref<256x256xf32, #tpu.memory_space<hbm>>)
      tpu.yield
    }) : () -> ()
    return
  }
}

module attributes {stable_mosaic.version = 14 : i64} {
  func.func @_finish_body(%arg0: memref<2x64x128xf32, #tpu.memory_space<vmem>>, %arg1: memref<8x1x1024xf32, #tpu.memory_space<vmem>>, %arg2: memref<1x1xf32, #tpu.memory_space<vmem>>, %arg3: memref<1x1xf32, #tpu.memory_space<vmem>>, %arg4: memref<1x1xf32, #tpu.memory_space<vmem>>) attributes {dimension_semantics = [], scalar_prefetch = 0 : i64, scratch_operands = 0 : i64, tpu.core_type = #tpu.core_type<tc>} {
    %get3A = arith.constant 0 : index
    %get3A_0 = arith.constant 0 : index
    %get3A_1 = arith.constant 0 : index
    %get3A_2 = vector.load %arg0[%get3A, %get3A_0, %get3A_1] : memref<2x64x128xf32, #tpu.memory_space<vmem>>, vector<2x64x128xf32>
    %slice3A = vector.extract_strided_slice %get3A_2 {offsets = [0, 0, 0], sizes = [1, 64, 128], strides = [1, 1, 1]} : vector<2x64x128xf32> to vector<1x64x128xf32>
    %squeeze3A = vector.shape_cast %slice3A : vector<1x64x128xf32> to vector<64x128xf32>
    %slice3A_3 = vector.extract_strided_slice %get3A_2 {offsets = [1, 0, 0], sizes = [1, 64, 128], strides = [1, 1, 1]} : vector<2x64x128xf32> to vector<1x64x128xf32>
    %squeeze3A_4 = vector.shape_cast %slice3A_3 : vector<1x64x128xf32> to vector<64x128xf32>
    %add3A = arith.addf %squeeze3A, %squeeze3A_4 : vector<64x128xf32>
    %mul3A = arith.constant 1.22070313E-4 : f32
    %mul3A_5 = vector.broadcast %mul3A : f32 to vector<64x128xf32>
    %mul3A_6 = arith.mulf %add3A, %mul3A_5 : vector<64x128xf32>
    %add3A_7 = arith.constant 1.000000e-10 : f32
    %add3A_8 = vector.broadcast %add3A_7 : f32 to vector<64x128xf32>
    %add3A_9 = arith.addf %mul3A_6, %add3A_8 : vector<64x128xf32>
    %log3A = math.log %add3A_9 : vector<64x128xf32>
    %mul3A_10 = arith.mulf %mul3A_6, %log3A : vector<64x128xf32>
    %reduce_sum3A = vector.shape_cast %mul3A_10 : vector<64x128xf32> to vector<1x64x128xf32>
    %reduce_sum3A_11 = arith.constant dense<0.000000e+00> : vector<1xf32>
    %reduce_sum3A_12 = vector.multi_reduction <add>, %reduce_sum3A, %reduce_sum3A_11 [1, 2] : vector<1x64x128xf32> to vector<1xf32>
    %reduce_sum3A_13 = vector.shape_cast %reduce_sum3A_12 : vector<1xf32> to vector<1x1x1xf32>
    %reduce_sum3A_14 = vector.extract %reduce_sum3A_13[0, 0, 0] : f32 from vector<1x1x1xf32>
    %neg3A = arith.constant 0.000000e+00 : f32
    %neg3A_15 = arith.subf %neg3A, %reduce_sum3A_14 : f32
    %exp3A = math.exp %neg3A_15 : f32
    %gt3A = arith.constant 0.000000e+00 : f32
    %gt3A_16 = vector.broadcast %gt3A : f32 to vector<64x128xf32>
    %gt3A_17 = arith.cmpf ogt, %add3A, %gt3A_16 : vector<64x128xf32>
    %jit3A = arith.constant 1.000000e+00 : f32
    %jit3A_18 = arith.constant 0.000000e+00 : f32
    %broadcast_in_dim3A = vector.broadcast %jit3A : f32 to vector<64x128xf32>
    %broadcast_in_dim3A_19 = vector.broadcast %jit3A_18 : f32 to vector<64x128xf32>
    %select_n3A = arith.select %gt3A_17, %broadcast_in_dim3A, %broadcast_in_dim3A_19 : vector<64x128xi1>, vector<64x128xf32>
    %reduce_sum3A_20 = vector.shape_cast %select_n3A : vector<64x128xf32> to vector<1x64x128xf32>
    %reduce_sum3A_21 = arith.constant dense<0.000000e+00> : vector<1xf32>
    %reduce_sum3A_22 = vector.multi_reduction <add>, %reduce_sum3A_20, %reduce_sum3A_21 [1, 2] : vector<1x64x128xf32> to vector<1xf32>
    %reduce_sum3A_23 = vector.shape_cast %reduce_sum3A_22 : vector<1xf32> to vector<1x1x1xf32>
    %reduce_sum3A_24 = vector.extract %reduce_sum3A_23[0, 0, 0] : f32 from vector<1x1x1xf32>
    %mul3A_25 = arith.constant 1.22070313E-4 : f32
    %mul3A_26 = arith.mulf %reduce_sum3A_24, %mul3A_25 : f32
    %sub3A = arith.constant 1.000000e+00 : f32
    %sub3A_27 = arith.subf %sub3A, %mul3A_26 : f32
    %get3A_28 = arith.constant 0 : index
    %get3A_29 = arith.constant 0 : index
    %get3A_30 = arith.constant 0 : index
    %get3A_31 = vector.load %arg1[%get3A_28, %get3A_29, %get3A_30] : memref<8x1x1024xf32, #tpu.memory_space<vmem>>, vector<8x1x1024xf32>
    %reduce_sum3A_32 = vector.shape_cast %get3A_31 : vector<8x1x1024xf32> to vector<1x8x1x1024xf32>
    %reduce_sum3A_33 = arith.constant dense<0.000000e+00> : vector<1xf32>
    %reduce_sum3A_34 = vector.multi_reduction <add>, %reduce_sum3A_32, %reduce_sum3A_33 [1, 2, 3] : vector<1x8x1x1024xf32> to vector<1xf32>
    %reduce_sum3A_35 = vector.shape_cast %reduce_sum3A_34 : vector<1xf32> to vector<1x1x1x1xf32>
    %reduce_sum3A_36 = vector.extract %reduce_sum3A_35[0, 0, 0, 0] : f32 from vector<1x1x1x1xf32>
    %mul3A_37 = arith.constant 4.76837158E-7 : f32
    %mul3A_38 = arith.mulf %reduce_sum3A_36, %mul3A_37 : f32
    %mul3A_39 = arith.constant 1.250000e+00 : f32
    %mul3A_40 = arith.mulf %mul3A_39, %mul3A_38 : f32
    %reshape3A = vector.broadcast %mul3A_40 : f32 to vector<1x1xf32>
    %swap3A = arith.constant 0 : index
    %swap3A_41 = arith.constant 0 : index
    %swap3A_42 = vector.load %arg2[%swap3A, %swap3A_41] : memref<1x1xf32, #tpu.memory_space<vmem>>, vector<1x1xf32>
    tpu.vector_store %arg2[%swap3A, %swap3A_41], %reshape3A {strides = array<i32>} : memref<1x1xf32, #tpu.memory_space<vmem>>, vector<1x1xf32>,
    %reshape3A_43 = vector.broadcast %exp3A : f32 to vector<1x1xf32>
    %swap3A_44 = arith.constant 0 : index
    %swap3A_45 = arith.constant 0 : index
    %swap3A_46 = vector.load %arg3[%swap3A_44, %swap3A_45] : memref<1x1xf32, #tpu.memory_space<vmem>>, vector<1x1xf32>
    tpu.vector_store %arg3[%swap3A_44, %swap3A_45], %reshape3A_43 {strides = array<i32>} : memref<1x1xf32, #tpu.memory_space<vmem>>, vector<1x1xf32>,
    %reshape3A_47 = vector.broadcast %sub3A_27 : f32 to vector<1x1xf32>
    %swap3A_48 = arith.constant 0 : index
    %swap3A_49 = arith.constant 0 : index
    %swap3A_50 = vector.load %arg4[%swap3A_48, %swap3A_49] : memref<1x1xf32, #tpu.memory_space<vmem>>, vector<1x1xf32>
    tpu.vector_store %arg4[%swap3A_48, %swap3A_49], %reshape3A_47 {strides = array<i32>} : memref<1x1xf32, #tpu.memory_space<vmem>>, vector<1x1xf32>,
    return
  }
}

module attributes {stable_mosaic.version = 14 : i64} {
  func.func @_dist_body(%arg0: i32, %arg1: i32, %arg2: memref<1x256x1024xf32, #tpu.memory_space<vmem>>, %arg3: memref<1024x256xf32, #tpu.memory_space<vmem>>, %arg4: memref<1x1x1024xi32, #tpu.memory_space<vmem>>, %arg5: memref<1x1x1024xf32, #tpu.memory_space<vmem>>, %arg6: memref<1x1024xf32, #tpu.memory_space<vmem>>, %arg7: memref<1x1024xi32, #tpu.memory_space<vmem>>) attributes {dimension_semantics = [#tpu.dimension_semantics<arbitrary>, #tpu.dimension_semantics<arbitrary>], iteration_bounds = array<i64: 8, 8>, scalar_prefetch = 0 : i64, scratch_operands = 2 : i64, tpu.core_type = #tpu.core_type<tc>, window_params = [{transform_indices = @transform_0, window_bounds = array<i64: 1, 256, 1024>}, {transform_indices = @transform_1, window_bounds = array<i64: 1024, 256>}, {transform_indices = @transform_2, window_bounds = array<i64: 1, 1, 1024>}, {transform_indices = @transform_3, window_bounds = array<i64: 1, 1, 1024>}]} {
    %get3A = arith.constant 0 : index
    %get3A_0 = arith.constant 0 : index
    %get3A_1 = arith.constant 0 : index
    %get3A_2 = vector.load %arg2[%get3A, %get3A_0, %get3A_1] : memref<1x256x1024xf32, #tpu.memory_space<vmem>>, vector<1x256x1024xf32>
    %get3A_3 = vector.shape_cast %get3A_2 : vector<1x256x1024xf32> to vector<256x1024xf32>
    %get3A_4 = arith.constant 0 : index
    %get3A_5 = arith.constant 0 : index
    %get3A_6 = vector.load %arg3[%get3A_4, %get3A_5] : memref<1024x256xf32, #tpu.memory_space<vmem>>, vector<1024x256xf32>
    %dot_general3A = arith.constant dense<0.000000e+00> : vector<1024x1024xf32>
    %dot_general3A_7 = tpu.matmul %get3A_6, %get3A_3, %dot_general3A {dimension_numbers = #tpu.dot_dimension_numbers<[1], [0], [0], [1], [0, 0, 1, 1], [], []>, transpose_lhs_hint = false} : vector<1024x256xf32>, vector<256x1024xf32>, vector<1024x1024xf32> -> vector<1024x1024xf32>
    %mul3A = arith.mulf %get3A_3, %get3A_3 : vector<256x1024xf32>
    %reduce_sum3A = arith.constant dense<0.000000e+00> : vector<1024xf32>
    %reduce_sum3A_8 = vector.multi_reduction <add>, %mul3A, %reduce_sum3A [0] : vector<256x1024xf32> to vector<1024xf32>
    %broadcast_in_dim3A = vector.shape_cast %reduce_sum3A_8 : vector<1024xf32> to vector<1x1024xf32>
    %mul3A_9 = arith.mulf %get3A_6, %get3A_6 : vector<1024x256xf32>
    %reduce_sum3A_10 = arith.constant dense<0.000000e+00> : vector<1024xf32>
    %reduce_sum3A_11 = vector.multi_reduction <add>, %mul3A_9, %reduce_sum3A_10 [1] : vector<1024x256xf32> to vector<1024xf32>
    %broadcast_in_dim3A_12 = vector.shape_cast %reduce_sum3A_11 : vector<1024xf32> to vector<1024x1xf32>
    %add3A = vector.broadcast %broadcast_in_dim3A : vector<1x1024xf32> to vector<1024x1024xf32>
    %add3A_13 = vector.broadcast %broadcast_in_dim3A_12 : vector<1024x1xf32> to vector<1024x1024xf32>
    %add3A_14 = arith.addf %add3A, %add3A_13 : vector<1024x1024xf32>
    %mul3A_15 = arith.constant 2.000000e+00 : f32
    %mul3A_16 = vector.broadcast %mul3A_15 : f32 to vector<1024x1024xf32>
    %mul3A_17 = arith.mulf %mul3A_16, %dot_general3A_7 : vector<1024x1024xf32>
    %sub3A = arith.subf %add3A_14, %mul3A_17 : vector<1024x1024xf32>
    %reduce_min3A = arith.constant dense<0x7F800000> : vector<1024xf32>
    %reduce_min3A_18 = vector.multi_reduction <minimumf>, %sub3A, %reduce_min3A [0] : vector<1024x1024xf32> to vector<1024xf32>
    %broadcast_in_dim3A_19 = vector.shape_cast %reduce_min3A_18 : vector<1024xf32> to vector<1x1024xf32>
    %iota3A = tpu.iota {dimensions = array<i32: 0>} : vector<1024x1024xi32>
    %mul3A_20 = arith.constant 1024 : i32
    %mul3A_21 = arith.muli %arg1, %mul3A_20 : i32
    %add3A_22 = vector.broadcast %mul3A_21 : i32 to vector<1024x1024xi32>
    %add3A_23 = arith.addi %iota3A, %add3A_22 : vector<1024x1024xi32>
    %eq3A = vector.broadcast %broadcast_in_dim3A_19 : vector<1x1024xf32> to vector<1024x1024xf32>
    %eq3A_24 = arith.cmpf oeq, %sub3A, %eq3A : vector<1024x1024xf32>
    %jit3A = arith.constant 8192 : i32
    %broadcast_in_dim3A_25 = vector.broadcast %jit3A : i32 to vector<1024x1024xi32>
    %select_n3A = arith.select %eq3A_24, %add3A_23, %broadcast_in_dim3A_25 : vector<1024x1024xi1>, vector<1024x1024xi32>
    %reduce_min3A_26 = arith.constant dense<2147483647> : vector<1024xi32>
    %reduce_min3A_27 = vector.multi_reduction <minsi>, %select_n3A, %reduce_min3A_26 [0] : vector<1024x1024xi32> to vector<1024xi32>
    %broadcast_in_dim3A_28 = vector.shape_cast %reduce_min3A_27 : vector<1024xi32> to vector<1x1024xi32>
    %eq3A_29 = arith.constant 0 : i32
    %eq3A_30 = arith.cmpi eq, %arg1, %eq3A_29 : i32
    %convert_element_type3A = arith.extui %eq3A_30 : i1 to i32
    %cond3A = arith.constant 0 : i32
    %cond3A_31 = arith.cmpi ne, %convert_element_type3A, %cond3A : i32
    scf.if %cond3A_31 {
      %swap3A = arith.constant 0 : index
      %swap3A_41 = arith.constant 0 : index
      %swap3A_42 = vector.load %arg6[%swap3A, %swap3A_41] : memref<1x1024xf32, #tpu.memory_space<vmem>>, vector<1x1024xf32>
      tpu.vector_store %arg6[%swap3A, %swap3A_41], %broadcast_in_dim3A_19 {strides = array<i32>} : memref<1x1024xf32, #tpu.memory_space<vmem>>, vector<1x1024xf32>,
      %swap3A_43 = arith.constant 0 : index
      %swap3A_44 = arith.constant 0 : index
      %swap3A_45 = vector.load %arg7[%swap3A_43, %swap3A_44] : memref<1x1024xi32, #tpu.memory_space<vmem>>, vector<1x1024xi32>
      tpu.vector_store %arg7[%swap3A_43, %swap3A_44], %broadcast_in_dim3A_28 {strides = array<i32>} : memref<1x1024xi32, #tpu.memory_space<vmem>>, vector<1x1024xi32>,
    } else {
    }
    %gt3A = arith.constant 0 : i32
    %gt3A_32 = arith.cmpi sgt, %arg1, %gt3A : i32
    %convert_element_type3A_33 = arith.extui %gt3A_32 : i1 to i32
    %cond3A_34 = arith.constant 0 : i32
    %cond3A_35 = arith.cmpi ne, %convert_element_type3A_33, %cond3A_34 : i32
    scf.if %cond3A_35 {
      %get3A_41 = arith.constant 0 : index
      %get3A_42 = arith.constant 0 : index
      %get3A_43 = vector.load %arg6[%get3A_41, %get3A_42] : memref<1x1024xf32, #tpu.memory_space<vmem>>, vector<1x1024xf32>
      %lt3A = arith.cmpf olt, %broadcast_in_dim3A_19, %get3A_43 : vector<1x1024xf32>
      %get3A_44 = arith.constant 0 : index
      %get3A_45 = arith.constant 0 : index
      %get3A_46 = vector.load %arg6[%get3A_44, %get3A_45] : memref<1x1024xf32, #tpu.memory_space<vmem>>, vector<1x1024xf32>
      %select_n3A_47 = arith.select %lt3A, %broadcast_in_dim3A_19, %get3A_46 : vector<1x1024xi1>, vector<1x1024xf32>
      %swap3A = arith.constant 0 : index
      %swap3A_48 = arith.constant 0 : index
      %swap3A_49 = vector.load %arg6[%swap3A, %swap3A_48] : memref<1x1024xf32, #tpu.memory_space<vmem>>, vector<1x1024xf32>
      tpu.vector_store %arg6[%swap3A, %swap3A_48], %select_n3A_47 {strides = array<i32>} : memref<1x1024xf32, #tpu.memory_space<vmem>>, vector<1x1024xf32>,
      %get3A_50 = arith.constant 0 : index
      %get3A_51 = arith.constant 0 : index
      %get3A_52 = vector.load %arg7[%get3A_50, %get3A_51] : memref<1x1024xi32, #tpu.memory_space<vmem>>, vector<1x1024xi32>
      %select_n3A_53 = arith.select %lt3A, %broadcast_in_dim3A_28, %get3A_52 : vector<1x1024xi1>, vector<1x1024xi32>
      %swap3A_54 = arith.constant 0 : index
      %swap3A_55 = arith.constant 0 : index
      %swap3A_56 = vector.load %arg7[%swap3A_54, %swap3A_55] : memref<1x1024xi32, #tpu.memory_space<vmem>>, vector<1x1024xi32>
      tpu.vector_store %arg7[%swap3A_54, %swap3A_55], %select_n3A_53 {strides = array<i32>} : memref<1x1024xi32, #tpu.memory_space<vmem>>, vector<1x1024xi32>,
    } else {
    }
    %eq3A_36 = arith.constant 7 : i32
    %eq3A_37 = arith.cmpi eq, %arg1, %eq3A_36 : i32
    %convert_element_type3A_38 = arith.extui %eq3A_37 : i1 to i32
    %cond3A_39 = arith.constant 0 : i32
    %cond3A_40 = arith.cmpi ne, %convert_element_type3A_38, %cond3A_39 : i32
    scf.if %cond3A_40 {
      %get3A_41 = arith.constant 0 : index
      %get3A_42 = arith.constant 0 : index
      %get3A_43 = vector.load %arg7[%get3A_41, %get3A_42] : memref<1x1024xi32, #tpu.memory_space<vmem>>, vector<1x1024xi32>
      %swap3A = arith.constant 0 : index
      %swap3A_44 = arith.constant 0 : index
      %swap3A_45 = arith.constant 0 : index
      %swap3A_46 = vector.load %arg4[%swap3A, %swap3A_44, %swap3A_45] : memref<1x1x1024xi32, #tpu.memory_space<vmem>>, vector<1x1x1024xi32>
      %swap3A_47 = vector.shape_cast %swap3A_46 : vector<1x1x1024xi32> to vector<1x1024xi32>
      %swap3A_48 = vector.shape_cast %get3A_43 : vector<1x1024xi32> to vector<1x1x1024xi32>
      tpu.vector_store %arg4[%swap3A, %swap3A_44, %swap3A_45], %swap3A_48 {strides = array<i32>} : memref<1x1x1024xi32, #tpu.memory_space<vmem>>, vector<1x1x1024xi32>,
      %get3A_49 = arith.constant 0 : index
      %get3A_50 = arith.constant 0 : index
      %get3A_51 = vector.load %arg6[%get3A_49, %get3A_50] : memref<1x1024xf32, #tpu.memory_space<vmem>>, vector<1x1024xf32>
      %swap3A_52 = arith.constant 0 : index
      %swap3A_53 = arith.constant 0 : index
      %swap3A_54 = arith.constant 0 : index
      %swap3A_55 = vector.load %arg5[%swap3A_52, %swap3A_53, %swap3A_54] : memref<1x1x1024xf32, #tpu.memory_space<vmem>>, vector<1x1x1024xf32>
      %swap3A_56 = vector.shape_cast %swap3A_55 : vector<1x1x1024xf32> to vector<1x1024xf32>
      %swap3A_57 = vector.shape_cast %get3A_51 : vector<1x1024xf32> to vector<1x1x1024xf32>
      tpu.vector_store %arg5[%swap3A_52, %swap3A_53, %swap3A_54], %swap3A_57 {strides = array<i32>} : memref<1x1x1024xf32, #tpu.memory_space<vmem>>, vector<1x1x1024xf32>,
    } else {
    }
    return
  }
  func.func @transform_0(%arg0: i32, %arg1: i32) -> (i32, i32, i32) {
    %c0_i32 = arith.constant 0 : i32
    %c0_i32_0 = arith.constant 0 : i32
    %c0_i32_1 = arith.constant 0 : i32
    return %arg0, %c0_i32, %c0_i32_0 : i32, i32, i32
  }
  func.func @transform_1(%arg0: i32, %arg1: i32) -> (i32, i32) {
    %c0_i32 = arith.constant 0 : i32
    %c0_i32_0 = arith.constant 0 : i32
    return %arg1, %c0_i32 : i32, i32
  }
  func.func @transform_2(%arg0: i32, %arg1: i32) -> (i32, i32, i32) {
    %c0_i32 = arith.constant 0 : i32
    %c0_i32_0 = arith.constant 0 : i32
    %c0_i32_1 = arith.constant 0 : i32
    return %arg0, %c0_i32, %c0_i32_0 : i32, i32, i32
  }
  func.func @transform_3(%arg0: i32, %arg1: i32) -> (i32, i32, i32) {
    %c0_i32 = arith.constant 0 : i32
    %c0_i32_0 = arith.constant 0 : i32
    %c0_i32_1 = arith.constant 0 : i32
    return %arg0, %c0_i32, %c0_i32_0 : i32, i32, i32
  }
}

</mosaic_0001>

<sc_bundles>
// kernel: kernel.5.cloned.1.call-start
scs
__scs_entry_jumppad:
0x0: {  	(pc) =	sbr.rel $0x88, $3  }
0x1: {  	(tag) =	ssettag $0x0;
	lr =	simm.s32 $0x1  }
0x2: {  	[smem:$0x3F9F] =	sst lr;
	_ =	strace $0xD0000000  }
0x3: {  	_ = 	snop  }
0x4: {  	_ = 	snop  }
0x5: {  	_ = 	snop  }
0x6: {  	_ = 	snop  }
0x7: {  	_ = 	snop  }
__scs_overlays_trampoline_lowered:
0x8: {  	[smem:$0x3FAE] =	sst s0  }
0x9: {  	[smem:$0x3FAF] =	sst s1  }
0xa: {  	[smem:$0x3FB0] =	sst s2  }
0xb: {  	[smem:$0x3FB1] =	sst s3  }
0xc: {  	[smem:$0x3FB2] =	sst s4  }
0xd: {  	[smem:$0x3FB3] =	sst s5  }
0xe: {  	[smem:$0x3FB4] =	sst s6  }
0xf: {  	[smem:$0x3FB5] =	sst s7  }
0x10: {  	[smem:$0x3FB6] =	sst s8  }
0x11: {  	[smem:$0x3FB7] =	sst s9;
	s0 =	simm.s32 @!p0 $0x0  }
0x12: {  	s1 =	sld [smem:$0x3F9D];
	s0 =	simm.s32 @p0 $0x1  }
0x13: {  	[smem:$0x3FB8] =	sst s0;
	s0 =	simm.s32 @!p1 $0x0  }
0x14: {  	s2 =	sld [smem:$0x3F9C];
	s0 =	simm.s32 @p1 $0x1  }
0x15: {  	[smem:$0x3FB9] =	sst s0;
	s0 =	simm.s32 @!p2 $0x0  }
0x16: {  	s3 =	sld [smem:$0x3FDB];
	s0 =	simm.s32 @p2 $0x1  }
0x17: {  	s4 =	simm.s32 $0x1BF5;
	[smem:$0x3FBB] =	sst s0  }
0x18: {  	s0 =	sld [smem:$0x3F9E];
	_ =	swait.ge [sflag:s4], $0x0  }
0x19: {  	s7 =	sld [smem:$0x3F9F]  }
0x1a: {  	s8 =	sadd.s32 $0xFFFFE003, lr  }
0x1b: {  	s9 =	sadd.s32 $0xFFFFFEF7, lr;
	s5 =	simm.s32 $0xFFFFFFFF;
	p2 =	slt.u32 s8, $0xFFFFF086  }
0x1c: {  	p1 =	slt.u32 s9, $0xF7A;
	s5 =	simm.s32 @!p2 $0x0  }
0x1d: {  	s5 =	simm.s32 @p1 $0x1;
	p0 =	seq.s32 s7, s2  }
0x1e: {  	s7 =	smul.u32 @!p0 $0xF7A, s2;
	p2 =	seq.s32 @!p0 s5, $0x0  }
0x1f: {  	s9 =	smul.u32 $0xF7A, s1;
	s8 =	simm.s32 @!p0 $0x1BF5;
	p2 =	por !p2, p0  }
0x20: {  	[sflag:s8] =	ssyncset.s32 @!p0 $0xFFFFF086;
	s6 =	sadd.s32 @!p0 s3, s7;
	s7 =	simm.s32 @!p0 $0x108  }
0x21: {  	s3 =	sadd.s32 s3, s9;
	s6 =	sadd.s32 @!p0 $0x88, s6;
	s7 =	simm.s32 @p2 $0x1082  }
0x22: {  	[simem:s7], [sflag:s8] =	dma.local @!p0 [hbm:s6], $0xF7A  }
0x23: {  	s9 =	sor.u32 $0xD0000000, s2;
	s6 =	simm.s32 $0x108;
	_ =	swait.ge @!p0 [sflag:s8], $0x0  }
0x24: {  	s3 =	sadd.s32 $0x88, s3;
	s6 =	simm.s32 @!p1 $0x1082;
	[sflag:s4] =	ssyncset.s32 $0xFFFFF086  }
0x25: {  	[simem:s6], [sflag:s4] =	dma.local [hbm:s3], $0xF7A  }
0x26: {  	[smem:$0x3F9F] =	sst s1;
	(tag) =	ssettag s2;
	_ =	strace s9  }
0x27: {  	s1 =	sld [smem:$0x3FAF]  }
0x28: {  	s2 =	sld [smem:$0x3FB0]  }
0x29: {  	s4 =	sld [smem:$0x3FB2]  }
0x2a: {  	p0 =	seq.s32 s5, $0x0;
	s5 =	sld [smem:$0x3FB3]  }
0x2b: {  	s6 =	sld [smem:$0x3FB4]  }
0x2c: {  	s7 =	sld [smem:$0x3FB5]  }
0x2d: {  	s3 =	simm.s32 $0x108;
	s8 =	sld [smem:$0x3FB6]  }
0x2e: {  	s3 =	simm.s32 @!p0 $0x1082;
	s9 =	sld [smem:$0x3FB7]  }
0x2f: {  	lr =	sadd.s32 s0, s3;
	s0 =	sld [smem:$0x3FAE]  }
0x30: {  	s3 =	sld [smem:$0x3FB1]  }
0x31: {  	[smem:$0x3FBA] =	sst s10  }
0x32: {  	s10 =	sld [smem:$0x3FB8];
	_ =	sdelay $0x3  }
0x33: {  	p0 =	seq.s32 s10, $0x1;
	s10 =	sld [smem:$0x3FBA];
	_ =	sdelay $0x3  }
0x34: {  	[smem:$0x3FBA] =	sst s10  }
0x35: {  	s10 =	sld [smem:$0x3FB9];
	_ =	sdelay $0x3  }
0x36: {  	p1 =	seq.s32 s10, $0x1;
	s10 =	sld [smem:$0x3FBA];
	_ =	sdelay $0x3  }
0x37: {  	[smem:$0x3FBA] =	sst s10  }
0x38: {  	s10 =	sld [smem:$0x3FBB]  }
0x39: {  	_ = 	snop;
	(pc) =	sbr.ind lr, $3  }
0x3a: {  	_ = 	snop  }
0x3b: {  	_ = 	snop  }
0x3c: {  	p2 =	seq.s32 s10, $0x1;
	s10 =	sld [smem:$0x3FBA]  }
0x3d: {  	_ =	shalt  }
0x3e: {  	_ =	shalt  }
0x3f: {  	_ =	shalt  }
0x40: {  	_ =	shalt  }
0x41: {  	_ =	shalt  }
0x42: {  	_ =	shalt  }
0x43: {  	_ =	shalt  }
0x44: {  	_ =	shalt  }
0x45: {  	_ =	shalt  }
0x46: {  	_ =	shalt  }
0x47: {  	_ =	shalt  }
0x48: {  	_ =	shalt  }
0x49: {  	_ =	shalt  }
0x4a: {  	_ =	shalt  }
0x4b: {  	_ =	shalt  }
0x4c: {  	_ =	shalt  }
0x4d: {  	_ =	shalt  }
0x4e: {  	_ =	shalt  }
0x4f: {  	_ =	shalt  }
0x50: {  	_ =	shalt  }
0x51: {  	_ =	shalt  }
0x52: {  	_ =	shalt  }
0x53: {  	_ =	shalt  }
0x54: {  	_ =	shalt  }
0x55: {  	_ =	shalt  }
0x56: {  	_ =	shalt  }
0x57: {  	_ =	shalt  }
0x58: {  	_ =	shalt  }
0x59: {  	_ =	shalt  }
0x5a: {  	_ =	shalt  }
0x5b: {  	_ =	shalt  }
0x5c: {  	_ =	shalt  }
0x5d: {  	_ =	shalt  }
0x5e: {  	_ =	shalt  }
0x5f: {  	_ =	shalt  }
0x60: {  	_ =	shalt  }
0x61: {  	_ =	shalt  }
0x62: {  	_ =	shalt  }
0x63: {  	_ =	shalt  }
0x64: {  	_ =	shalt  }
0x65: {  	_ =	shalt  }
0x66: {  	_ =	shalt  }
0x67: {  	_ =	shalt  }
0x68: {  	_ =	shalt  }
0x69: {  	_ =	shalt  }
0x6a: {  	_ =	shalt  }
0x6b: {  	_ =	shalt  }
0x6c: {  	_ =	shalt  }
0x6d: {  	_ =	shalt  }
0x6e: {  	_ =	shalt  }
0x6f: {  	_ =	shalt  }
0x70: {  	_ =	shalt  }
0x71: {  	_ =	shalt  }
0x72: {  	_ =	shalt  }
0x73: {  	_ =	shalt  }
0x74: {  	_ =	shalt  }
0x75: {  	_ =	shalt  }
0x76: {  	_ =	shalt  }
0x77: {  	_ =	shalt  }
0x78: {  	_ =	shalt  }
0x79: {  	_ =	shalt  }
0x7a: {  	_ =	shalt  }
0x7b: {  	_ =	shalt  }
0x7c: {  	_ =	shalt  }
0x7d: {  	_ =	shalt  }
0x7e: {  	_ =	shalt  }
0x7f: {  	_ =	shalt  }
0x80: {  	_ =	shalt  }
0x81: {  	_ =	shalt  }
0x82: {  	_ =	shalt  }
0x83: {  	_ =	shalt  }
0x84: {  	_ =	shalt  }
0x85: {  	_ =	shalt  }
0x86: {  	_ =	shalt  }
0x87: {  	_ =	shalt  }
.Lfunc_end0:
.L_simem_size_0:
called_computation_lowered:
.L_overlay_start_0:
0x88: {  	s2 =	sld [smem:$0x3FD9]  }
0x89: {  	s3 =	sld [smem:$0x3FFE];
	_ =	sdelay $0x1  }
0x8a: {  	s1 =	srdreg.scid  }
0x8b: {  	s0 =	sand.u32 $0x1, s1  }
0x8c: {  	s14 =	sshll.u32 s0, $0xA;
	s2 =	sadd.s32 s3, s2  }
0x8d: {  	s2 =	sadd.s32 s2, s14  }
0x8e: {  	[smem:$0x3FC6] =	sst s2  }
0x8f: {  	_ = 	snop  }
0x90: {  	s2 =	sld [smem:$0x3FD0];
	_ =	sdelay $0x2  }
0x91: {  	s4 =	simm.s32 $0xA;
	s5 =	simm.s32 $0x10;
	s15 =	sld [smem:$0x3FC8]  }
0x92: {  	[smem:s5], [sflag:s4] =	dma.local [hbm:s2], $0x1  }
0x93: {  	_ =	swait.eq [sflag:s4], $0x1  }
0x94: {  	[sflag:s4] =	ssyncset.done $0x0  }
0x95: {  	[sflag:s4] =	ssyncadd.s32 $0xFFFFFFFF  }
0x96: {  	s16 =	sld [smem:$0x11];
	(tm) =	ssettm $0x1  }
0x97: {  	s17 =	sld [smem:$0x3FFB];
	_ =	sdelay $0x3  }
0x98: {  	_ =	strace s17  }
0x99: {  	s4 =	sld [smem:$0x3FFC];
	_ =	sdelay $0x3  }
0x9a: {  	_ =	strace s4  }
0x9b: {  	s4 =	sld [smem:$0x3FFD];
	_ =	sdelay $0x3  }
0x9c: {  	_ =	strace s4  }
0x9d: {  	_ =	strace $0x8FFFFFFF  }
0x9e: {  	s18 =	sld [smem:$0x3FDB];
	_ =	sdelay $0x1  }
0x9f: {  	s19 =	simm.s32 $_scs_section_size  }
0xa0: {  	s6 =	simm.s32 $_size__tile_overlayer_lowered;
	s7 =	simm.s32 $_tile_overlayer_lowered  }
0xa1: {  	s22 =	simm.s32 $0x1BFF;
	s21 =	sshll.u32 s7, $0x1;
	s4 =	sadd.s32 s19, s18  }
0xa2: {  	s8 =	simm.s32 $0x0;
	s20 =	sshll.u32 s6, $0x1;
	s6 =	sadd.s32 s21, s4  }
0xa3: {  	[timem:s8], [sflag:s22] =	dma.local [hbm:s6], s20  }
0xa4: {  	_ =	swait.ge [sflag:s22], s20  }
0xa5: {  	s5 =	ssub.s32 $0x0, s20;
	[sflag:s22] =	ssyncset.done $0x0  }
0xa6: {  	[sflag:s22] =	ssyncadd.s32 s5;
	_ =	sdelay $0x1  }
0xa7: {  	s23 =	simm.s32 $0x1B8B  }
0xa8: {  	_ =	swait.ge [sflag:s23], $0x1  }
0xa9: {  	[sflag:s23] =	ssyncset.done $0x0  }
0xaa: {  	s25 =	simm.s32 $0x1B8E;
	s24 =	sld [smem:$0x3FFE];
	[sflag:s23] =	ssyncadd.s32 $0xFFFFFFFF  }
0xab: {  	s26 =	simm.s32 $execute0_lowered;
	[smem:$0x3FD2] =	sst s25  }
0xac: {  	s6 =	sshll.u32 s26, $0x1;
	_ =	strace $0x80000046;
	[dreg:$0x1] =	wrdreg $0xFFFFFFFF  }
0xad: {  	s28 =	simm.s32 $_size_execute0_lowered;
	s4 =	sadd.s32 s4, s6;
	[dreg:$0x0] =	wrdreg $0x0  }
0xae: {  	s6 =	sshll.u32 s28, $0x1;
	[dreg:$0x2] =	wrdreg s4  }
0xaf: {  	[dreg:$0x3] =	wrdreg s6  }
0xb0: {  	[dreg:$0x4] =	wrdreg $0xC0  }
0xb1: {  	_ =	task [dreg:s8], $0x5FFFF  }
0xb2: {  	[dreg:$0x1] =	wrdreg $0xFFFFFFFF  }
0xb3: {  	[dreg:$0x0] =	wrdreg $0x60  }
0xb4: {  	[dreg:$0x2] =	wrdreg s15  }
0xb5: {  	[dreg:$0x3] =	wrdreg s24  }
0xb6: {  	[dreg:$0x4] =	wrdreg s16  }
0xb7: {  	[dreg:$0x5] =	wrdreg $0x125000  }
0xb8: {  	[dreg:$0x6] =	wrdreg $0x9  }
0xb9: {  	_ =	task.clear_ibuf [dreg:s8], $0x7FFFF;
	_ =	strace $0x90000046  }
0xba: {  	s29 =	simm.s32 $0x9;
	_ =	strace $0x80000048  }
0xbb: {  	_ =	swait.ge [sflag:s29], $0x1  }
0xbc: {  	[sflag:s29] =	ssyncadd.s32 $0xFFFFFFFF  }
0xbd: {  	_ =	strace $0x90000048  }
0xbe: {  	_ =	sfence  }
0xbf: {  	s30 =	sld [smem:$0x0];
	_ =	sdelay $0x2  }
0xc0: {  	s31 =	sshll.u32 s1, $0xD;
	s1 =	sshrl.u32 s1, $0x2  }
0xc1: {  	s3 =	sand.u32 $0x4000, s31;
	s1 =	sadd.s32 s1, s30  }
0xc2: {  	s0 =	sor.u32 s3, s0;
	s1 =	sshll.u32 s1, $0x11  }
0xc3: {  	s0 =	sor.u32 s1, s0  }
0xc4: {  	s0 =	sadd.s32 $0x8F2B, s0  }
0xc5: {  	[sflag:s0] =	ssyncadd.remote.s32 $0x1  }
0xc6: {  	_ =	sfence.sel $0xFFFF  }
0xc7: {  	[dreg:$0x0] =	wrdreg $0xFFFFFFFF;
	(pc) =	sbr.abs _section_cstart, $3  }
0xc8: {  	[dreg:$0x1] =	wrdreg $0xFFFFFFFF  }
0xc9: {  	_ =	task.clear_ibuf [dreg:s8], $0x2FFFF;
	_ =	strace $0x9FFFFFFF  }
0xca: {  	(tm) =	ssettm $0x7FFFFFFF  }
0xcb: {  	_ =	shalt  }
tec
execute0_lowered:
.L_overlay_start_1:
0x0: {  	(tag) =	ssettag $0x1  }
0x1: {  	s1 =	rddreg [dreg:$0x0]  }
0x2: {  	s0 =	rddreg [dreg:$0x1]  }
0x3: {  	s2 =	rddreg [dreg:$0x2]  }
0x4: {  	s6 =	rddreg [dreg:$0x3];
	s4 =	srdreg.scid  }
0x5: {  	s3 =	simm.s32 $0x0;
	s11 =	stileid.u32;
	s12 =	simm.s32 $0xB100  }
0x6: {  	s13 =	simm.s32 $0xB900;
	s14 =	simm.s32 $0xC100;
	s15 =	simm.s32 $0xC900  }
0x7: {  	s16 =	simm.s32 $0xD100;
	s17 =	simm.s32 $0xD900;
	s18 =	simm.s32 $0xE100  }
0x8: {  	s19 =	simm.s32 $0xE900;
	s20 =	simm.s32 $0xF100;
	s21 =	simm.s32 $0xF900  }
0x9: {  	s22 =	simm.s32 $0x10100;
	s23 =	simm.s32 $0x80;
	s24 =	simm.s32 $0x400  }
0xa: {  	s28 =	simm.s32 $0x1;
	s29 =	simm.s32 $0x0;
	s5 =	sand.u32 $0x1, s4  }
0xb: {  	[smem:$0x7FF] =	sst s3;
	s25 =	sshll.u32 s11, $0x9;
	s30 =	sshll.u32 s11, $0xD  }
0xc: {  	s31 =	sshll.u32 s11, $0x7;
	s11 =	sshll.u32 s11, $0xC;
	s7 =	sshll.u32 s5, $0x8  }
0xd: {  	_ =	strace $0x80000047;
	s26 =	ssub.s32 $0x2, s5;
	s10 =	sand.u32 $0x380, s31  }
0xe: {  	s5 =	sshll.u32 s5, $0x4;
	s4 =	sor.u32 s7, s25;
	s9 =	sshrl.u32 s26, $0x1  }
0xf: {  	s7 =	sand.u32 $0x10000, s30;
	s2 =	sadd.s32 s2, s5;
	s25 =	simm.s32 $0x12300  }
0x10: {  	s8 =	sshrl.u32 s4, $0x3;
	s4 =	sshll.u32 s4, $0x5;
	s9 =	ssub.s32 s26, s9  }
0x11: {  	s7 =	sadd.s32 s7, s6;
	s6 =	sadd.s32 s11, s6;
	s11 =	simm.s32 $0x100  }
0x12: {  	v2 =	vlaneseq.u32;
	vm0 =	vmmov $0xffff;
	s26 =	simm.s32 $0x12100;
	s8 =	sadd.s32 s8, s0;
	s0 =	sadd.s32 s4, s0  }
0x13: {  	v3 =	vimm.f32 $0.0e+00;
	v4 =	vimm.f32 $1.000000000e+00;
	v1 =	vshrl.u32 v2, $0x3;
	s5 =	sadd.s32 s10, s7;
	s7 =	sadd.s32 s31, s2;
	s9 =	smax.u32 s9, $0x1  }
0x14: {  	v0 =	vand.u32 $0x7, v2;
	v2 =	vor.u32 $0x8, v2;
	v1 =	vmul.u32 $0x8, v1;
	s10 =	simm.s32 $0x2;
	s4 =	sadd.s32 $0x1200, s8;
	s8 =	sadd.s32 $0x1600, s0  }
.LBB2_1:
0x15: {  	[tilespmem:s3], [sflag:$0x2] =	stream.linear.gather [hbm4b:s4+s3], $0x100, $0x38;
	[tilespmem:$0x14500] =	vst v63  }
0x16: {  	_ =	swait.ge [sflag:s10], $0x100  }
0x17: {  	[sflag:s10] =	ssyncset.done $0x0  }
0x18: {  	[sflag:s10] =	ssyncadd.s32 $0xFFFFFF00  }
0x19: {  	v5 =	vld [tilespmem:$0x0];
	_ =	sdelay $0x4  }
0x1a: {  	v6 =	vshll.u32 v5, $0x1  }
0x1b: {  	v5 =	vand.u32 $0x7, v5;
	v6 =	vand.u32 $0xFFFFFFF0, v6  }
0x1c: {  	v5 =	vor.u32 v5, v6  }
0x1d: {  	v6 =	vperm.xlane v5, v0;
	_ =	sdelay $0x1  }
0x1e: {  	v5 =	vperm.xlane v5, v2;
	v6 =	vadd.s32 v1, v6;
	_ =	sdelay $0x1  }
0x1f: {  	v5 =	vadd.s32 v1, v5;
	_ =	sdelay $0x2  }
0x20: {  	[tilespmem:s11], [sflag:$0x1] =	stream.indirect_vreg.gather [hbm4b:s1+s3], $0x80, v6, vm0, $0xb8;
	[tilespmem:$0x14500] =	vst v63  }
0x21: {  	s0 =	simm.s32 $0x900  }
0x22: {  	[tilespmem:s0], [sflag:$0x1] =	stream.indirect_vreg.gather [hbm4b:s1+s3], $0x80, v5, vm0, $0xb8;
	[tilespmem:$0x14500] =	vst v63  }
0x23: {  	v5 =	vld [tilespmem:$0x10];
	_ =	sdelay $0x4  }
0x24: {  	v6 =	vshll.u32 v5, $0x1  }
0x25: {  	v5 =	vand.u32 $0x7, v5;
	v6 =	vand.u32 $0xFFFFFFF0, v6  }
0x26: {  	v5 =	vor.u32 v5, v6  }
0x27: {  	v6 =	vperm.xlane v5, v0;
	_ =	sdelay $0x1  }
0x28: {  	v5 =	vperm.xlane v5, v2;
	v6 =	vadd.s32 v1, v6;
	_ =	sdelay $0x1  }
0x29: {  	v5 =	vadd.s32 v1, v5;
	_ =	sdelay $0x1  }
0x2a: {  	s2 =	simm.s32 $0x1100  }
0x2b: {  	[tilespmem:s2], [sflag:$0x1] =	stream.indirect_vreg.gather [hbm4b:s1+s3], $0x80, v6, vm0, $0xb8;
	[tilespmem:$0x14500] =	vst v63  }
0x2c: {  	s2 =	simm.s32 $0x1900  }
0x2d: {  	[tilespmem:s2], [sflag:$0x1] =	stream.indirect_vreg.gather [hbm4b:s1+s3], $0x80, v5, vm0, $0xb8;
	[tilespmem:$0x14500] =	vst v63  }
0x2e: {  	v5 =	vld [tilespmem:$0x20];
	_ =	sdelay $0x4  }
0x2f: {  	v6 =	vshll.u32 v5, $0x1  }
0x30: {  	v5 =	vand.u32 $0x7, v5;
	v6 =	vand.u32 $0xFFFFFFF0, v6  }
0x31: {  	v5 =	vor.u32 v5, v6  }
0x32: {  	v6 =	vperm.xlane v5, v0;
	_ =	sdelay $0x1  }
0x33: {  	v5 =	vperm.xlane v5, v2;
	v6 =	vadd.s32 v1, v6;
	_ =	sdelay $0x1  }
0x34: {  	v5 =	vadd.s32 v1, v5;
	_ =	sdelay $0x1  }
0x35: {  	s2 =	simm.s32 $0x2100  }
0x36: {  	[tilespmem:s2], [sflag:$0x1] =	stream.indirect_vreg.gather [hbm4b:s1+s3], $0x80, v6, vm0, $0xb8;
	[tilespmem:$0x14500] =	vst v63  }
0x37: {  	s2 =	simm.s32 $0x2900  }
0x38: {  	[tilespmem:s2], [sflag:$0x1] =	stream.indirect_vreg.gather [hbm4b:s1+s3], $0x80, v5, vm0, $0xb8;
	[tilespmem:$0x14500] =	vst v63  }
0x39: {  	v5 =	vld [tilespmem:$0x30];
	_ =	sdelay $0x4  }
0x3a: {  	v6 =	vshll.u32 v5, $0x1  }
0x3b: {  	v5 =	vand.u32 $0x7, v5;
	v6 =	vand.u32 $0xFFFFFFF0, v6  }
0x3c: {  	v5 =	vor.u32 v5, v6  }
0x3d: {  	v6 =	vperm.xlane v5, v0;
	_ =	sdelay $0x1  }
0x3e: {  	v5 =	vperm.xlane v5, v2;
	v6 =	vadd.s32 v1, v6;
	_ =	sdelay $0x1  }
0x3f: {  	v5 =	vadd.s32 v1, v5;
	_ =	sdelay $0x1  }
0x40: {  	s2 =	simm.s32 $0x3100  }
0x41: {  	[tilespmem:s2], [sflag:$0x1] =	stream.indirect_vreg.gather [hbm4b:s1+s3], $0x80, v6, vm0, $0xb8;
	[tilespmem:$0x14500] =	vst v63  }
0x42: {  	s2 =	simm.s32 $0x3900  }
0x43: {  	[tilespmem:s2], [sflag:$0x1] =	stream.indirect_vreg.gather [hbm4b:s1+s3], $0x80, v5, vm0, $0xb8;
	[tilespmem:$0x14500] =	vst v63  }
0x44: {  	v5 =	vld [tilespmem:$0x40];
	_ =	sdelay $0x4  }
0x45: {  	v6 =	vshll.u32 v5, $0x1  }
0x46: {  	v5 =	vand.u32 $0x7, v5;
	v6 =	vand.u32 $0xFFFFFFF0, v6  }
0x47: {  	v5 =	vor.u32 v5, v6  }
0x48: {  	v6 =	vperm.xlane v5, v0;
	_ =	sdelay $0x1  }
0x49: {  	v5 =	vperm.xlane v5, v2;
	v6 =	vadd.s32 v1, v6;
	_ =	sdelay $0x1  }
0x4a: {  	v5 =	vadd.s32 v1, v5;
	_ =	sdelay $0x1  }
0x4b: {  	s2 =	simm.s32 $0x4100  }
0x4c: {  	[tilespmem:s2], [sflag:$0x1] =	stream.indirect_vreg.gather [hbm4b:s1+s3], $0x80, v6, vm0, $0xb8;
	[tilespmem:$0x14500] =	vst v63  }
0x4d: {  	s2 =	simm.s32 $0x4900  }
0x4e: {  	[tilespmem:s2], [sflag:$0x1] =	stream.indirect_vreg.gather [hbm4b:s1+s3], $0x80, v5, vm0, $0xb8;
	[tilespmem:$0x14500] =	vst v63  }
0x4f: {  	v5 =	vld [tilespmem:$0x50];
	_ =	sdelay $0x4  }
0x50: {  	v6 =	vshll.u32 v5, $0x1  }
0x51: {  	v5 =	vand.u32 $0x7, v5;
	v6 =	vand.u32 $0xFFFFFFF0, v6  }
0x52: {  	v5 =	vor.u32 v5, v6  }
0x53: {  	v6 =	vperm.xlane v5, v0;
	_ =	sdelay $0x1  }
0x54: {  	v5 =	vperm.xlane v5, v2;
	v6 =	vadd.s32 v1, v6;
	_ =	sdelay $0x1  }
0x55: {  	v5 =	vadd.s32 v1, v5;
	_ =	sdelay $0x1  }
0x56: {  	s2 =	simm.s32 $0x5100  }
0x57: {  	[tilespmem:s2], [sflag:$0x1] =	stream.indirect_vreg.gather [hbm4b:s1+s3], $0x80, v6, vm0, $0xb8;
	[tilespmem:$0x14500] =	vst v63  }
0x58: {  	s2 =	simm.s32 $0x5900  }
0x59: {  	[tilespmem:s2], [sflag:$0x1] =	stream.indirect_vreg.gather [hbm4b:s1+s3], $0x80, v5, vm0, $0xb8;
	[tilespmem:$0x14500] =	vst v63  }
0x5a: {  	v5 =	vld [tilespmem:$0x60];
	_ =	sdelay $0x4  }
0x5b: {  	v6 =	vshll.u32 v5, $0x1  }
0x5c: {  	v5 =	vand.u32 $0x7, v5;
	v6 =	vand.u32 $0xFFFFFFF0, v6  }
0x5d: {  	v5 =	vor.u32 v5, v6  }
0x5e: {  	v6 =	vperm.xlane v5, v0;
	_ =	sdelay $0x1  }
0x5f: {  	v5 =	vperm.xlane v5, v2;
	v6 =	vadd.s32 v1, v6;
	_ =	sdelay $0x1  }
0x60: {  	v5 =	vadd.s32 v1, v5;
	_ =	sdelay $0x1  }
0x61: {  	s2 =	simm.s32 $0x6100  }
0x62: {  	[tilespmem:s2], [sflag:$0x1] =	stream.indirect_vreg.gather [hbm4b:s1+s3], $0x80, v6, vm0, $0xb8;
	[tilespmem:$0x14500] =	vst v63  }
0x63: {  	s2 =	simm.s32 $0x6900  }
0x64: {  	[tilespmem:s2], [sflag:$0x1] =	stream.indirect_vreg.gather [hbm4b:s1+s3], $0x80, v5, vm0, $0xb8;
	[tilespmem:$0x14500] =	vst v63  }
0x65: {  	v5 =	vld [tilespmem:$0x70];
	_ =	sdelay $0x4  }
0x66: {  	v6 =	vshll.u32 v5, $0x1  }
0x67: {  	v5 =	vand.u32 $0x7, v5;
	v6 =	vand.u32 $0xFFFFFFF0, v6  }
0x68: {  	v5 =	vor.u32 v5, v6  }
0x69: {  	v6 =	vperm.xlane v5, v0;
	_ =	sdelay $0x1  }
0x6a: {  	v5 =	vperm.xlane v5, v2;
	v6 =	vadd.s32 v1, v6;
	_ =	sdelay $0x1  }
0x6b: {  	v5 =	vadd.s32 v1, v5;
	_ =	sdelay $0x1  }
0x6c: {  	s2 =	simm.s32 $0x7100  }
0x6d: {  	[tilespmem:s2], [sflag:$0x1] =	stream.indirect_vreg.gather [hbm4b:s1+s3], $0x80, v6, vm0, $0xb8;
	[tilespmem:$0x14500] =	vst v63  }
0x6e: {  	s2 =	simm.s32 $0x7900  }
0x6f: {  	[tilespmem:s2], [sflag:$0x1] =	stream.indirect_vreg.gather [hbm4b:s1+s3], $0x80, v5, vm0, $0xb8;
	[tilespmem:$0x14500] =	vst v63  }
0x70: {  	v5 =	vld [tilespmem:$0x80];
	_ =	sdelay $0x4  }
0x71: {  	v6 =	vshll.u32 v5, $0x1  }
0x72: {  	v5 =	vand.u32 $0x7, v5;
	v6 =	vand.u32 $0xFFFFFFF0, v6  }
0x73: {  	v5 =	vor.u32 v5, v6  }
0x74: {  	v6 =	vperm.xlane v5, v0;
	_ =	sdelay $0x1  }
0x75: {  	v5 =	vperm.xlane v5, v2;
	v6 =	vadd.s32 v1, v6;
	_ =	sdelay $0x1  }
0x76: {  	v5 =	vadd.s32 v1, v5;
	_ =	sdelay $0x1  }
0x77: {  	s2 =	simm.s32 $0x8100  }
0x78: {  	[tilespmem:s2], [sflag:$0x1] =	stream.indirect_vreg.gather [hbm4b:s1+s3], $0x80, v6, vm0, $0xb8;
	[tilespmem:$0x14500] =	vst v63  }
0x79: {  	s2 =	simm.s32 $0x8900  }
0x7a: {  	[tilespmem:s2], [sflag:$0x1] =	stream.indirect_vreg.gather [hbm4b:s1+s3], $0x80, v5, vm0, $0xb8;
	[tilespmem:$0x14500] =	vst v63  }
0x7b: {  	v5 =	vld [tilespmem:$0x90];
	_ =	sdelay $0x4  }
0x7c: {  	v6 =	vshll.u32 v5, $0x1  }
0x7d: {  	v5 =	vand.u32 $0x7, v5;
	v6 =	vand.u32 $0xFFFFFFF0, v6  }
0x7e: {  	v5 =	vor.u32 v5, v6  }
0x7f: {  	v6 =	vperm.xlane v5, v0;
	_ =	sdelay $0x1  }
0x80: {  	v5 =	vperm.xlane v5, v2;
	v6 =	vadd.s32 v1, v6;
	_ =	sdelay $0x1  }
0x81: {  	v5 =	vadd.s32 v1, v5;
	_ =	sdelay $0x1  }
0x82: {  	s2 =	simm.s32 $0x9100  }
0x83: {  	[tilespmem:s2], [sflag:$0x1] =	stream.indirect_vreg.gather [hbm4b:s1+s3], $0x80, v6, vm0, $0xb8;
	[tilespmem:$0x14500] =	vst v63  }
0x84: {  	s2 =	simm.s32 $0x9900  }
0x85: {  	[tilespmem:s2], [sflag:$0x1] =	stream.indirect_vreg.gather [hbm4b:s1+s3], $0x80, v5, vm0, $0xb8;
	[tilespmem:$0x14500] =	vst v63  }
0x86: {  	v5 =	vld [tilespmem:$0xA0];
	_ =	sdelay $0x4  }
0x87: {  	v6 =	vshll.u32 v5, $0x1  }
0x88: {  	v5 =	vand.u32 $0x7, v5;
	v6 =	vand.u32 $0xFFFFFFF0, v6  }
0x89: {  	v5 =	vor.u32 v5, v6  }
0x8a: {  	v6 =	vperm.xlane v5, v0;
	_ =	sdelay $0x1  }
0x8b: {  	v5 =	vperm.xlane v5, v2;
	v6 =	vadd.s32 v1, v6;
	_ =	sdelay $0x1  }
0x8c: {  	v5 =	vadd.s32 v1, v5;
	_ =	sdelay $0x1  }
0x8d: {  	s2 =	simm.s32 $0xA100  }
0x8e: {  	[tilespmem:s2], [sflag:$0x1] =	stream.indirect_vreg.gather [hbm4b:s1+s3], $0x80, v6, vm0, $0xb8;
	[tilespmem:$0x14500] =	vst v63  }
0x8f: {  	s2 =	simm.s32 $0xA900  }
0x90: {  	[tilespmem:s2], [sflag:$0x1] =	stream.indirect_vreg.gather [hbm4b:s1+s3], $0x80, v5, vm0, $0xb8;
	[tilespmem:$0x14500] =	vst v63  }
0x91: {  	v5 =	vld [tilespmem:$0xB0];
	_ =	sdelay $0x4  }
0x92: {  	v6 =	vshll.u32 v5, $0x1  }
0x93: {  	v5 =	vand.u32 $0x7, v5;
	v6 =	vand.u32 $0xFFFFFFF0, v6  }
0x94: {  	v5 =	vor.u32 v5, v6  }
0x95: {  	v6 =	vperm.xlane v5, v0;
	_ =	sdelay $0x1  }
0x96: {  	v5 =	vperm.xlane v5, v2;
	v6 =	vadd.s32 v1, v6;
	_ =	sdelay $0x1  }
0x97: {  	v5 =	vadd.s32 v1, v5;
	_ =	sdelay $0x2  }
0x98: {  	[tilespmem:s12], [sflag:$0x1] =	stream.indirect_vreg.gather [hbm4b:s1+s3], $0x80, v6, vm0, $0xb8;
	[tilespmem:$0x14500] =	vst v63  }
0x99: {  	_ = 	snop  }
0x9a: {  	[tilespmem:s13], [sflag:$0x1] =	stream.indirect_vreg.gather [hbm4b:s1+s3], $0x80, v5, vm0, $0xb8;
	[tilespmem:$0x14500] =	vst v63  }
0x9b: {  	v5 =	vld [tilespmem:$0xC0];
	_ =	sdelay $0x4  }
0x9c: {  	v6 =	vshll.u32 v5, $0x1  }
0x9d: {  	v5 =	vand.u32 $0x7, v5;
	v6 =	vand.u32 $0xFFFFFFF0, v6  }
0x9e: {  	v5 =	vor.u32 v5, v6  }
0x9f: {  	v6 =	vperm.xlane v5, v0;
	_ =	sdelay $0x1  }
0xa0: {  	v5 =	vperm.xlane v5, v2;
	v6 =	vadd.s32 v1, v6;
	_ =	sdelay $0x1  }
0xa1: {  	v5 =	vadd.s32 v1, v5;
	_ =	sdelay $0x2  }
0xa2: {  	[tilespmem:s14], [sflag:$0x1] =	stream.indirect_vreg.gather [hbm4b:s1+s3], $0x80, v6, vm0, $0xb8;
	[tilespmem:$0x14500] =	vst v63  }
0xa3: {  	_ = 	snop  }
0xa4: {  	[tilespmem:s15], [sflag:$0x1] =	stream.indirect_vreg.gather [hbm4b:s1+s3], $0x80, v5, vm0, $0xb8;
	[tilespmem:$0x14500] =	vst v63  }
0xa5: {  	v5 =	vld [tilespmem:$0xD0];
	_ =	sdelay $0x4  }
0xa6: {  	v6 =	vshll.u32 v5, $0x1  }
0xa7: {  	v5 =	vand.u32 $0x7, v5;
	v6 =	vand.u32 $0xFFFFFFF0, v6  }
0xa8: {  	v5 =	vor.u32 v5, v6  }
0xa9: {  	v6 =	vperm.xlane v5, v0;
	_ =	sdelay $0x1  }
0xaa: {  	v5 =	vperm.xlane v5, v2;
	v6 =	vadd.s32 v1, v6;
	_ =	sdelay $0x1  }
0xab: {  	v5 =	vadd.s32 v1, v5;
	_ =	sdelay $0x2  }
0xac: {  	[tilespmem:s16], [sflag:$0x1] =	stream.indirect_vreg.gather [hbm4b:s1+s3], $0x80, v6, vm0, $0xb8;
	[tilespmem:$0x14500] =	vst v63  }
0xad: {  	_ = 	snop  }
0xae: {  	[tilespmem:s17], [sflag:$0x1] =	stream.indirect_vreg.gather [hbm4b:s1+s3], $0x80, v5, vm0, $0xb8;
	[tilespmem:$0x14500] =	vst v63  }
0xaf: {  	v5 =	vld [tilespmem:$0xE0];
	_ =	sdelay $0x4  }
0xb0: {  	v6 =	vshll.u32 v5, $0x1  }
0xb1: {  	v5 =	vand.u32 $0x7, v5;
	v6 =	vand.u32 $0xFFFFFFF0, v6  }
0xb2: {  	v5 =	vor.u32 v5, v6  }
0xb3: {  	v6 =	vperm.xlane v5, v0;
	_ =	sdelay $0x1  }
0xb4: {  	v5 =	vperm.xlane v5, v2;
	v6 =	vadd.s32 v1, v6;
	_ =	sdelay $0x1  }
0xb5: {  	v5 =	vadd.s32 v1, v5;
	_ =	sdelay $0x2  }
0xb6: {  	[tilespmem:s18], [sflag:$0x1] =	stream.indirect_vreg.gather [hbm4b:s1+s3], $0x80, v6, vm0, $0xb8;
	[tilespmem:$0x14500] =	vst v63  }
0xb7: {  	_ = 	snop  }
0xb8: {  	[tilespmem:s19], [sflag:$0x1] =	stream.indirect_vreg.gather [hbm4b:s1+s3], $0x80, v5, vm0, $0xb8;
	[tilespmem:$0x14500] =	vst v63  }
0xb9: {  	v5 =	vld [tilespmem:$0xF0];
	_ =	sdelay $0x4  }
0xba: {  	v6 =	vshll.u32 v5, $0x1  }
0xbb: {  	v5 =	vand.u32 $0x7, v5;
	v6 =	vand.u32 $0xFFFFFFF0, v6  }
0xbc: {  	v5 =	vor.u32 v5, v6  }
0xbd: {  	v6 =	vperm.xlane v5, v0;
	_ =	sdelay $0x1  }
0xbe: {  	v5 =	vperm.xlane v5, v2;
	v6 =	vadd.s32 v1, v6;
	_ =	sdelay $0x1  }
0xbf: {  	v5 =	vadd.s32 v1, v5;
	_ =	sdelay $0x2  }
0xc0: {  	[tilespmem:s20], [sflag:$0x1] =	stream.indirect_vreg.gather [hbm4b:s1+s3], $0x80, v6, vm0, $0xb8;
	[tilespmem:$0x14500] =	vst v63  }
0xc1: {  	s30 =	simm.s32 $0x40;
	s31 =	simm.s32 $0x0  }
0xc2: {  	[tilespmem:s21], [sflag:$0x1] =	stream.indirect_vreg.gather [hbm4b:s1+s3], $0x80, v5, vm0, $0xb8;
	[tilespmem:$0x14500] =	vst v63  }
.LBB2_2:
0xc3: {  	p0 =	sne.s32 s30, $0x7FC0;
	[tilespmem:s31+$0x10100] =	vst v3;
	s31 =	smov.u32 s30;
	s30 =	sadd.s32 $0x40, s30  }
.Ltmp0:
0xc4: {  	(pc) =	sbr.rel @p0 .LBB2_2-.Ltmp0, $2  }
0xc5: {  	_ =	sdelay $0x2  }
0xc6: {  	s31 =	sshra.s32 s31, $0x2  }
0xc7: {  	[tilespmem:s31+$0x10100] =	vst v3  }
0xc8: {  	v5 =	vld [tilespmem:$0x0];
	_ =	sdelay $0x7  }
0xc9: {  	[tilespmem:v5+s22+$0x0] =	vst.idx.add.f32.msk $0xffff, v4  }
0xca: {  	v5 =	vld [tilespmem:$0x10];
	_ =	sdelay $0x7  }
0xcb: {  	[tilespmem:v5+s22+$0x0] =	vst.idx.add.f32.msk $0xffff, v4  }
0xcc: {  	v5 =	vld [tilespmem:$0x20];
	_ =	sdelay $0x7  }
0xcd: {  	[tilespmem:v5+s22+$0x0] =	vst.idx.add.f32.msk $0xffff, v4  }
0xce: {  	v5 =	vld [tilespmem:$0x30];
	_ =	sdelay $0x7  }
0xcf: {  	[tilespmem:v5+s22+$0x0] =	vst.idx.add.f32.msk $0xffff, v4  }
0xd0: {  	v5 =	vld [tilespmem:$0x40];
	_ =	sdelay $0x7  }
0xd1: {  	[tilespmem:v5+s22+$0x0] =	vst.idx.add.f32.msk $0xffff, v4  }
0xd2: {  	v5 =	vld [tilespmem:$0x50];
	_ =	sdelay $0x7  }
0xd3: {  	[tilespmem:v5+s22+$0x0] =	vst.idx.add.f32.msk $0xffff, v4  }
0xd4: {  	v5 =	vld [tilespmem:$0x60];
	_ =	sdelay $0x7  }
0xd5: {  	[tilespmem:v5+s22+$0x0] =	vst.idx.add.f32.msk $0xffff, v4  }
0xd6: {  	v5 =	vld [tilespmem:$0x70];
	_ =	sdelay $0x7  }
0xd7: {  	[tilespmem:v5+s22+$0x0] =	vst.idx.add.f32.msk $0xffff, v4  }
0xd8: {  	v5 =	vld [tilespmem:$0x80];
	_ =	sdelay $0x7  }
0xd9: {  	[tilespmem:v5+s22+$0x0] =	vst.idx.add.f32.msk $0xffff, v4  }
0xda: {  	v5 =	vld [tilespmem:$0x90];
	_ =	sdelay $0x7  }
0xdb: {  	[tilespmem:v5+s22+$0x0] =	vst.idx.add.f32.msk $0xffff, v4  }
0xdc: {  	v5 =	vld [tilespmem:$0xA0];
	_ =	sdelay $0x7  }
0xdd: {  	[tilespmem:v5+s22+$0x0] =	vst.idx.add.f32.msk $0xffff, v4  }
0xde: {  	v5 =	vld [tilespmem:$0xB0];
	_ =	sdelay $0x7  }
0xdf: {  	[tilespmem:v5+s22+$0x0] =	vst.idx.add.f32.msk $0xffff, v4  }
0xe0: {  	v5 =	vld [tilespmem:$0xC0];
	_ =	sdelay $0x7  }
0xe1: {  	[tilespmem:v5+s22+$0x0] =	vst.idx.add.f32.msk $0xffff, v4  }
0xe2: {  	v5 =	vld [tilespmem:$0xD0];
	_ =	sdelay $0x7  }
0xe3: {  	[tilespmem:v5+s22+$0x0] =	vst.idx.add.f32.msk $0xffff, v4  }
0xe4: {  	v5 =	vld [tilespmem:$0xE0];
	_ =	sdelay $0x7  }
0xe5: {  	[tilespmem:v5+s22+$0x0] =	vst.idx.add.f32.msk $0xffff, v4  }
0xe6: {  	v5 =	vld [tilespmem:$0xF0];
	_ =	sdelay $0x7  }
0xe7: {  	[tilespmem:v5+s22+$0x0] =	vst.idx.add.f32.msk $0xffff, v4  }
0xe8: {  	[spmem:s5] =	stream.strided.scatter [tilespmem:s22], [sflag:$0x2], $0x2000, s24, s23, $0x38;
	[tilespmem:$0x14500] =	vst v63  }
0xe9: {  	_ =	swait.ge [sflag:s10], $0x2000  }
0xea: {  	[sflag:s10] =	ssyncset.done $0x0  }
0xeb: {  	[sflag:s10] =	ssyncadd.s32 $0xFFFFE000  }
0xec: {  	[bflag:$0x0] =	sbarrier.arrive $0xFFFF  }
0xed: {  	[tilespmem:$0x12100] =	vst v3  }
0xee: {  	[tilespmem:$0x12110] =	vst v3  }
0xef: {  	[tilespmem:$0x12120] =	vst v3  }
0xf0: {  	[tilespmem:$0x12130] =	vst v3  }
0xf1: {  	[tilespmem:$0x12140] =	vst v3  }
0xf2: {  	[tilespmem:$0x12150] =	vst v3  }
0xf3: {  	[tilespmem:$0x12160] =	vst v3  }
0xf4: {  	[tilespmem:$0x12170] =	vst v3  }
0xf5: {  	[tilespmem:$0x12180] =	vst v3  }
0xf6: {  	[tilespmem:$0x12190] =	vst v3  }
0xf7: {  	[tilespmem:$0x121A0] =	vst v3  }
0xf8: {  	[tilespmem:$0x121B0] =	vst v3  }
0xf9: {  	[tilespmem:$0x121C0] =	vst v3  }
0xfa: {  	[tilespmem:$0x121D0] =	vst v3  }
0xfb: {  	[tilespmem:$0x121E0] =	vst v3  }
0xfc: {  	[tilespmem:$0x121F0] =	vst v3  }
0xfd: {  	[tilespmem:$0x12200] =	vst v3  }
0xfe: {  	[tilespmem:$0x12210] =	vst v3  }
0xff: {  	[tilespmem:$0x12220] =	vst v3  }
0x100: {  	[tilespmem:$0x12230] =	vst v3  }
0x101: {  	[tilespmem:$0x12240] =	vst v3  }
0x102: {  	[tilespmem:$0x12250] =	vst v3  }
0x103: {  	[tilespmem:$0x12260] =	vst v3  }
0x104: {  	[tilespmem:$0x12270] =	vst v3  }
0x105: {  	[tilespmem:$0x12280] =	vst v3  }
0x106: {  	[tilespmem:$0x12290] =	vst v3  }
0x107: {  	[tilespmem:$0x122A0] =	vst v3  }
0x108: {  	[tilespmem:$0x122B0] =	vst v3  }
0x109: {  	[tilespmem:$0x122C0] =	vst v3  }
0x10a: {  	[tilespmem:$0x122D0] =	vst v3  }
0x10b: {  	[tilespmem:$0x122E0] =	vst v3  }
0x10c: {  	s30 =	simm.s32 $0x0;
	s31 =	simm.s32 $0x0;
	[tilespmem:$0x122F0] =	vst v3  }
.LBB2_4:
0x10d: {  	s0 =	sand.u32 $0x10000, s31  }
0x10e: {  	s2 =	sand.u32 $0x380, s30;
	s0 =	sadd.s32 s0, s6  }
0x10f: {  	s0 =	sadd.s32 s2, s0  }
0x110: {  	[tilespmem:s25], [sflag:$0x2] =	stream.strided.gather [spmem:s0], $0x200, s24, s23, $0x38;
	[tilespmem:$0x14500] =	vst v63  }
0x111: {  	_ =	swait.ge [sflag:s10], $0x200  }
0x112: {  	[sflag:s10] =	ssyncset.done $0x0  }
0x113: {  	[sflag:s10] =	ssyncadd.s32 $0xFFFFFE00  }
0x114: {  	v5 =	vld [tilespmem:$0x12100]  }
0x115: {  	v6 =	vld [tilespmem:$0x12300]  }
0x116: {  	v7 =	vld [tilespmem:$0x12110]  }
0x117: {  	v8 =	vld [tilespmem:$0x12310]  }
0x118: {  	v9 =	vld [tilespmem:$0x12120]  }
0x119: {  	v10 =	vld [tilespmem:$0x12320]  }
0x11a: {  	v11 =	vld [tilespmem:$0x12130]  }
0x11b: {  	v12 =	vld [tilespmem:$0x12330]  }
0x11c: {  	v13 =	vld [tilespmem:$0x12140]  }
0x11d: {  	v14 =	vld [tilespmem:$0x12340]  }
0x11e: {  	v15 =	vld [tilespmem:$0x12150]  }
0x11f: {  	v16 =	vld [tilespmem:$0x12350]  }
0x120: {  	v17 =	vld [tilespmem:$0x12160]  }
0x121: {  	v18 =	vld [tilespmem:$0x12360]  }
0x122: {  	v19 =	vld [tilespmem:$0x12170]  }
0x123: {  	v20 =	vld [tilespmem:$0x12370]  }
0x124: {  	v21 =	vld [tilespmem:$0x12180]  }
0x125: {  	v22 =	vld [tilespmem:$0x12380]  }
0x126: {  	v23 =	vld [tilespmem:$0x12190]  }
0x127: {  	v24 =	vld [tilespmem:$0x12390]  }
0x128: {  	v25 =	vld [tilespmem:$0x121A0]  }
0x129: {  	v26 =	vld [tilespmem:$0x123A0]  }
0x12a: {  	v27 =	vld [tilespmem:$0x121B0]  }
0x12b: {  	v28 =	vld [tilespmem:$0x123B0]  }
0x12c: {  	v29 =	vld [tilespmem:$0x121C0]  }
0x12d: {  	v30 =	vld [tilespmem:$0x123C0]  }
0x12e: {  	v31 =	vld [tilespmem:$0x121D0]  }
0x12f: {  	v32 =	vld [tilespmem:$0x123D0]  }
0x130: {  	v33 =	vld [tilespmem:$0x121E0]  }
0x131: {  	v34 =	vld [tilespmem:$0x123E0]  }
0x132: {  	v35 =	vld [tilespmem:$0x121F0]  }
0x133: {  	v36 =	vld [tilespmem:$0x123F0]  }
0x134: {  	v37 =	vld [tilespmem:$0x12200]  }
0x135: {  	v38 =	vld [tilespmem:$0x12400]  }
0x136: {  	v39 =	vld [tilespmem:$0x12210]  }
0x137: {  	v40 =	vld [tilespmem:$0x12410]  }
0x138: {  	v41 =	vld [tilespmem:$0x12220]  }
0x139: {  	v61 =	vld [tilespmem:$0x12230];
	v5 =	vadd.f32 v6, v5  }
0x13a: {  	v62 =	vld [tilespmem:$0x12430];
	v7 =	vadd.f32 v8, v7  }
0x13b: {  	v63 =	vld [tilespmem:$0x12240];
	[tilespmem:$0x12100] =	vst v5;
	v5 =	vadd.f32 v10, v9  }
0x13c: {  	v42 =	vld [tilespmem:$0x12440];
	[tilespmem:$0x12110] =	vst v7;
	v7 =	vadd.f32 v12, v11  }
0x13d: {  	v43 =	vld [tilespmem:$0x12250];
	[tilespmem:$0x12120] =	vst v5;
	v5 =	vadd.f32 v14, v13  }
0x13e: {  	v44 =	vld [tilespmem:$0x12450];
	[tilespmem:$0x12130] =	vst v7;
	v7 =	vadd.f32 v16, v15  }
0x13f: {  	v45 =	vld [tilespmem:$0x12260];
	[tilespmem:$0x12140] =	vst v5;
	v5 =	vadd.f32 v18, v17  }
0x140: {  	v46 =	vld [tilespmem:$0x12460];
	[tilespmem:$0x12150] =	vst v7;
	v7 =	vadd.f32 v20, v19  }
0x141: {  	v47 =	vld [tilespmem:$0x12270];
	[tilespmem:$0x12160] =	vst v5;
	v5 =	vadd.f32 v22, v21  }
0x142: {  	v48 =	vld [tilespmem:$0x12470];
	[tilespmem:$0x12170] =	vst v7;
	v7 =	vadd.f32 v24, v23  }
0x143: {  	v49 =	vld [tilespmem:$0x12280];
	[tilespmem:$0x12180] =	vst v5;
	v5 =	vadd.f32 v26, v25  }
0x144: {  	v50 =	vld [tilespmem:$0x12480];
	[tilespmem:$0x12190] =	vst v7;
	v7 =	vadd.f32 v28, v27  }
0x145: {  	v51 =	vld [tilespmem:$0x12290];
	[tilespmem:$0x121A0] =	vst v5;
	v5 =	vadd.f32 v30, v29  }
0x146: {  	v6 =	vld [tilespmem:$0x12420];
	[tilespmem:$0x121B0] =	vst v7;
	v7 =	vadd.f32 v32, v31  }
0x147: {  	v52 =	vld [tilespmem:$0x12490];
	[tilespmem:$0x121C0] =	vst v5;
	v5 =	vadd.f32 v34, v33  }
0x148: {  	v53 =	vld [tilespmem:$0x122A0];
	[tilespmem:$0x121D0] =	vst v7;
	v7 =	vadd.f32 v36, v35  }
0x149: {  	v54 =	vld [tilespmem:$0x124A0];
	[tilespmem:$0x121E0] =	vst v5;
	v5 =	vadd.f32 v38, v37  }
0x14a: {  	v55 =	vld [tilespmem:$0x122B0];
	[tilespmem:$0x121F0] =	vst v7;
	v7 =	vadd.f32 v40, v39  }
0x14b: {  	v56 =	vld [tilespmem:$0x122C0];
	[tilespmem:$0x12200] =	vst v5;
	v5 =	vadd.f32 v6, v41  }
0x14c: {  	v6 =	vld [tilespmem:$0x124B0];
	[tilespmem:$0x12210] =	vst v7;
	v7 =	vadd.f32 v62, v61  }
0x14d: {  	v57 =	vld [tilespmem:$0x124C0];
	[tilespmem:$0x12220] =	vst v5;
	v5 =	vadd.f32 v42, v63  }
0x14e: {  	v58 =	vld [tilespmem:$0x122D0];
	[tilespmem:$0x12230] =	vst v7;
	v7 =	vadd.f32 v44, v43  }
0x14f: {  	v59 =	vld [tilespmem:$0x124D0];
	[tilespmem:$0x12240] =	vst v5;
	v5 =	vadd.f32 v46, v45  }
0x150: {  	v60 =	vld [tilespmem:$0x122E0];
	[tilespmem:$0x12250] =	vst v7;
	v7 =	vadd.f32 v48, v47  }
0x151: {  	v62 =	vld [tilespmem:$0x122F0];
	v6 =	vadd.f32 v6, v55;
	[tilespmem:$0x12260] =	vst v5  }
0x152: {  	v63 =	vld [tilespmem:$0x124F0];
	v5 =	vadd.f32 v50, v49;
	[tilespmem:$0x12270] =	vst v7  }
0x153: {  	v61 =	vld [tilespmem:$0x124E0];
	v7 =	vadd.f32 v52, v51;
	[tilespmem:$0x122B0] =	vst v6  }
0x154: {  	[tilespmem:$0x12280] =	vst v5;
	v5 =	vadd.f32 v54, v53  }
0x155: {  	p0 =	sne.s32 s31, $0x1E000;
	v6 =	vadd.f32 v59, v58;
	[tilespmem:$0x12290] =	vst v7  }
.Ltmp1:
0x156: {  	[tilespmem:$0x122A0] =	vst v5;
	v5 =	vadd.f32 v57, v56;
	(pc) =	sbr.rel @p0 .LBB2_4-.Ltmp1, $4  }
0x157: {  	[tilespmem:$0x122D0] =	vst v6;
	v6 =	vadd.f32 v63, v62  }
0x158: {  	[tilespmem:$0x122C0] =	vst v5;
	v5 =	vadd.f32 v61, v60  }
0x159: {  	[tilespmem:$0x122F0] =	vst v6  }
0x15a: {  	s30 =	sadd.s32 $0x80, s30;
	s31 =	sadd.s32 $0x2000, s31;
	[tilespmem:$0x122E0] =	vst v5  }
0x15b: {  	[hbm4b:s7+s23] =	stream.strided.scatter [tilespmem:s26], [sflag:$0x2], $0x200, s11, s23, $0x38;
	[tilespmem:$0x14500] =	vst v63  }
0x15c: {  	_ =	swait.ge [sflag:s10], $0x200  }
0x15d: {  	[sflag:s10] =	ssyncset.done $0x0  }
0x15e: {  	[sflag:s10] =	ssyncadd.s32 $0xFFFFFE00  }
0x15f: {  	s29 =	sadd.s32 $0x1, s29;
	_ =	swait.ge [sflag:s28], $0x10000  }
0x160: {  	p0 =	sne.s32 s29, s9;
	[sflag:s28] =	ssyncset.done $0x0  }
.Ltmp2:
0x161: {  	[sflag:s28] =	ssyncadd.s32 $0xFFFF0000;
	(pc) =	sbr.rel @p0 .LBB2_1-.Ltmp2, $4  }
0x162: {  	[hbm4b:s8+s3] =	stream.linear.scatter [tilespmem:s11], [sflag:$0x2], $0x10000, $0x38;
	[tilespmem:$0x14500] =	vst v63  }
0x163: {  	_ =	swait.ge [sflag:s10], $0x10000  }
0x164: {  	[sflag:s10] =	ssyncset.done $0x0  }
0x165: {  	[sflag:s10] =	ssyncadd.s32 $0xFFFF0000  }
0x166: {  	_ =	sfence.sel $0x180000  }
0x167: {  	[bflag:$0x0] =	sbarrier.arrive $0xFFFF  }
0x168: {  	_ =	strace $0x90000047  }
0x169: {  	s0 =	stileid.u32;
	[bflag:$0x2] =	sbarrier.arrive $0xFFFF  }
0x16a: {  	p0 =	sne.s32 s0, $0x0;
	s0 =	rddreg [dreg:$0x4]  }
0x16b: {  	s0 =	sadd.s32 @!p0 $0x100000, s0  }
0x16c: {  	[sflag:s0] =	ssyncadd.tile.s32 @!p0 $0x1;
	_ =	shalt  }
.Lfunc_end2:
_tile_overlayer_lowered:
.L_overlay_start_2:
0x16d: {  	(tag) =	ssettag $0x2  }
0x16e: {  	s0 =	rddreg [dreg:$0x0];
	s2 =	stileid.u32  }
0x16f: {  	s1 =	rddreg [dreg:$0x1];
	p0 =	sne.s32 s2, $0x0  }
0x170: {  	s3 =	rddreg [dreg:$0x2];
	[bflag:$0x3] =	sbarrier.arrive $0xFFFF;
	s2 =	simm.s32 @!p0 $0x1C02  }
0x171: {  	[timem:s3], [sflag:s2] =	dma.local @!p0 [hbm:s0], s1  }
0x172: {  	s0 =	simm.s32 @!p0 $0x2  }
0x173: {  	_ =	swait.ge @!p0 [sflag:s0], s1  }
0x174: {  	s1 =	ssub.s32 @!p0 $0x0, s1;
	[sflag:s0] =	ssyncset.done @!p0 $0x0  }
0x175: {  	[sflag:s0] =	ssyncadd.s32 @!p0 s1  }
0x176: {  	[bflag:$0x3] =	sbarrier.arrive $0xFFFF  }
0x177: {  	_ =	shalt  }

</sc_bundles>
